<compile_context>
chip_gen: v7x
topology: tpu7x:2x2x1
jax: 0.10.2.dev20260603
libtpu: 0.0.44.dev20260713+nightly
codegen_flags: <defaults>
</compile_context>

<pallas_src>
import jax
import jax.numpy as jnp
from jax import lax
from jax.experimental import pallas as pl
from jax.experimental.pallas import tpu as pltpu
from jax.experimental.pallas import tpu_sc as plsc

MIN_VAR_, MIN_MEAN_ = 5.5, 4.5
DELTA_VAR_, DELTA_MEAN_ = 0.95, 1.05
EPS_ = 1e-8
LN2_ = 0.6931471805599453
MAGIC_ = 0x3F3504F3
C1_, C2_, C3_, C4_, C5_, C6_ = (1.000013, -0.49978617, 0.33228943,
                                -0.25564772, 0.22294995, -0.13931262)
L_ = 16


def _vlog(x):
    bits = lax.bitcast_convert_type(x, jnp.int32)
    e = (bits - MAGIC_) >> 23
    m = lax.bitcast_convert_type(bits - (e << 23), jnp.float32)
    t = m - 1.0
    p = t * (C1_ + t * (C2_ + t * (C3_ + t * (C4_ + t * (C5_ + t * C6_)))))
    return e.astype(jnp.float32) * LN2_ + p


def _dg(v, idx):
    return v.at[idx].get(mode="promise_in_bounds")


def _make_sc_call(B):
    info = plsc.get_sparse_core_info()
    NC, NS = info.num_cores, info.num_subcores
    NW = NC * NS
    assert B % (NW * L_) == 0
    BPW = B // NW

    mesh = plsc.VectorSubcoreMesh(core_axis_name="c", subcore_axis_name="s")

    def body(t1_h, e_h, idx_h, tab_h, pos_h, neg_h,
             x0_v, x1_v, e0_v, e1_v, idx_v, tab_v, pos_v, neg_v, sem):
        wid = lax.axis_index("s") * NC + lax.axis_index("c")
        base = wid * BPW

        copies = [
            pltpu.async_copy(t1_h.at[pl.ds(base, BPW)], x0_v, sem),
            pltpu.async_copy(t1_h.at[pl.ds(B + base, BPW)], x1_v, sem),
            pltpu.async_copy(e_h.at[pl.ds(base, BPW)], e0_v, sem),
            pltpu.async_copy(e_h.at[pl.ds(B + base, BPW)], e1_v, sem),
            pltpu.async_copy(idx_h.at[pl.ds(base, BPW)], idx_v, sem),
            pltpu.async_copy(tab_h, tab_v, sem),
        ]
        for c in copies:
            c.wait()

        tmin_s = tab_v[pl.ds(0, L_)] * MIN_VAR_ + MIN_MEAN_
        tmax_s = tmin_s + (jnp.abs(tab_v[pl.ds(L_, L_)]) * DELTA_VAR_
                           + DELTA_MEAN_)

        @plsc.parallel_loop(0, BPW, step=L_, unroll=4)
        def _step(i):
            sl = pl.ds(i, L_)
            x0 = x0_v[sl]
            x1 = x1_v[sl]
            ee0 = e0_v[sl]
            ee1 = e1_v[sl]

            idxv = idx_v[sl]
            i0 = idxv + idxv
            i1 = i0 + 1
            tm0 = _dg(tmin_s, i0)
            tm1 = _dg(tmin_s, i1)
            tx0 = _dg(tmax_s, i0)
            tx1 = _dg(tmax_s, i1)

            t1m0 = jnp.abs(x0) * MIN_VAR_ + MIN_MEAN_
            t1m1 = jnp.abs(x1) * MIN_VAR_ + MIN_MEAN_
            t1d0 = jnp.abs(ee0) * MIN_VAR_ + MIN_MEAN_
            t1d1 = jnp.abs(ee1) * MIN_VAR_ + MIN_MEAN_
            t1x0 = t1m0 + t1d0
            t1x1 = t1m1 + t1d1

            md0 = jnp.minimum(t1x0, tx0) - jnp.maximum(t1m0, tm0)
            md1 = jnp.minimum(t1x1, tx1) - jnp.maximum(t1m1, tm1)
            disjoint = (md0 <= 0.0) | (md1 <= 0.0)
            meetprod = jnp.maximum(md0, EPS_) * jnp.maximum(md1, EPS_)
            d = t1d0 * t1d1
            j = (jnp.maximum(t1x0, tx0) - jnp.minimum(t1m0, tm0)) * \
                (jnp.maximum(t1x1, tx1) - jnp.minimum(t1m1, tm1))
            t2p = (tx0 - tm0) * (tx1 - tm1)

            ld = _vlog(d)
            pos_arg = jnp.where(disjoint,
                                jnp.maximum(j - d - t2p, EPS_ * j), meetprod)
            neg_arg = jnp.where(disjoint, d,
                                jnp.maximum(d - meetprod, EPS_ * d))
            pos_v[sl] = ld - _vlog(pos_arg)
            neg_v[sl] = ld - _vlog(neg_arg)

        outs = [
            pltpu.async_copy(pos_v, pos_h.at[pl.ds(base, BPW)], sem),
            pltpu.async_copy(neg_v, neg_h.at[pl.ds(base, BPW)], sem),
        ]
        for c in outs:
            c.wait()

    return pl.kernel(
        body,
        out_type=(jax.ShapeDtypeStruct((B,), jnp.float32),
                  jax.ShapeDtypeStruct((B,), jnp.float32)),
        mesh=mesh,
        scratch_types=[
            pltpu.VMEM((BPW,), jnp.float32),
            pltpu.VMEM((BPW,), jnp.float32),
            pltpu.VMEM((BPW,), jnp.float32),
            pltpu.VMEM((BPW,), jnp.float32),
            pltpu.VMEM((BPW,), jnp.int32),
            pltpu.VMEM((2 * L_,), jnp.float32),
            pltpu.VMEM((BPW,), jnp.float32),
            pltpu.VMEM((BPW,), jnp.float32),
            pltpu.SemaphoreType.DMA,
        ],
    )


def kernel(t1x, t2_embed1, t2_embed2, min_feature_embed, delta_feature_embed):
    B = t1x.shape[0]
    call = _make_sc_call(B)
    tab = jnp.concatenate([min_feature_embed.reshape(L_),
                           delta_feature_embed.reshape(L_)])
    return call(
        t1x.T.reshape(B * 2),
        t2_embed1.T.reshape(B * 2),
        t2_embed2.astype(jnp.int32),
        tab,
    )

# --- scband reference (transcript-rebuilt; emitter-appended) ---
"""Pipeline reference for scband-torch-model-1786706395195 (READ-ONLY COPY).

The authoritative reference and input builder live on the scoring server;
editing this copy changes nothing except your own understanding.
"""

import jax, jax.numpy as jnp
import numpy as np

# measure == 'uniform' scales from init_embedding_scale()
MIN_LOWER, MIN_HIGHER = -1.0, 10.0
DELTA_LOWER, DELTA_HIGHER = 0.1, 2.0
MIN_MEAN = (MIN_LOWER + MIN_HIGHER) / 2.0   # 4.5
MIN_VAR = MIN_HIGHER - MIN_MEAN             # 5.5
DELTA_MEAN = (DELTA_LOWER + DELTA_HIGHER) / 2.0  # 1.05
DELTA_VAR = DELTA_HIGHER - DELTA_MEAN            # 0.95
EPS = 1e-8


def batch_log_prob(mn, mx):
    # uniform-measure log volume of a box
    return jnp.sum(jnp.log(jnp.clip(mx - mn, EPS, None)), axis=-1)


def _forward(t1x, t2_embed1, t2_idx, min_feature_embed, delta_feature_embed):
    # get_token_embedding
    t2_min = jnp.take(min_feature_embed, t2_idx, axis=0) * MIN_VAR + MIN_MEAN
    t2_delta = jnp.abs(jnp.take(delta_feature_embed, t2_idx, axis=0)) * DELTA_VAR + DELTA_MEAN
    t2_max = t2_min + t2_delta
    t1_min = jnp.abs(t1x) * MIN_VAR + MIN_MEAN
    t1_delta = jnp.abs(t2_embed1) * MIN_VAR + MIN_MEAN  # (sic) original uses min scale here
    t1_max = t1_min + t1_delta

    # unit_cube.calc_join_and_meet
    join_min = jnp.minimum(t1_min, t2_min)
    join_max = jnp.maximum(t1_max, t2_max)
    meet_min = jnp.maximum(t1_min, t2_min)
    meet_max = jnp.minimum(t1_max, t2_max)
    disjoint = jnp.any(meet_max <= meet_min, axis=-1)

    joint_log = batch_log_prob(meet_min, meet_max)
    domi_log = batch_log_prob(t1_min, t1_max)
    cond_log = joint_log - domi_log

    # lambda_batch_log_prob: positive loss, overlapping boxes
    pos_overlap = -cond_log

    # lambda_batch_log_upper_bound: positive loss, disjoint boxes
    join_log = batch_log_prob(join_min, join_max)
    t2_log = batch_log_prob(t2_min, t2_max)
    ub = join_log + jnp.log(jnp.clip(1.0 - jnp.exp(domi_log - join_log) - jnp.exp(t2_log - join_log), EPS, None))
    pos_disjoint = -(ub - domi_log)

    train_pos_prob = jnp.where(disjoint, pos_disjoint, pos_overlap)

    # lambda_batch_log_1minus_prob (overlap) / lambda_zero (disjoint)
    neg_overlap = -jnp.log(jnp.clip(1.0 - jnp.exp(cond_log), EPS, None))
    train_neg_prob = jnp.where(disjoint, jnp.zeros_like(neg_overlap), neg_overlap)

    return train_pos_prob, train_neg_prob


def setup_inputs(seed: int = 0) -> dict:
    key = jax.random.key(seed)
    k1, k2, k3 = jax.random.split(key, 3)
    B = 16384
    t1x = jax.random.normal(k1, (B, 2), dtype=jnp.float32)
    t2_embed1 = jax.random.normal(k2, (B, 2), dtype=jnp.float32)
    t2_embed2 = jax.random.randint(k3, (B,), 0, 8)
    # frozen feature tables exactly as hard-coded in init_word_embedding
    min_feature_embed = jnp.array([[1.0, 1.0], [1.0, 4.0], [1.0, 8.0], [1.1, 0.9],
                                   [3.1, 0.9], [5.1, 0.9], [7.1, 0.9], [9.1, 0.9]], dtype=jnp.float32)
    delta_feature_embed = jnp.array([[10.0, 2.0], [10.0, 2.0], [10.0, 2.0], [1.5, 10.5],
                                     [1.5, 10.5], [1.5, 10.5], [1.5, 10.5], [1.5, 10.5]], dtype=jnp.float32)
    return {"t1x": t1x, "t2_embed1": t2_embed1, "t2_embed2": t2_embed2,
            "min_feature_embed": min_feature_embed, "delta_feature_embed": delta_feature_embed}


def reference(t1x, t2_embed1, t2_embed2, min_feature_embed, delta_feature_embed):
    return _forward(t1x, t2_embed1, t2_embed2, min_feature_embed, delta_feature_embed)

if __name__ == "__main__":
    import jax
    _d = setup_inputs()
    print(jax.jit(kernel)(*tuple(_d.values())))

</pallas_src>

<mosaic_0001>
#map = affine_map<(d0, d1) -> (0)>
module attributes {stable_mosaic.version = 14 : i64} {
  func.func @body(%arg0: i32, %arg1: i32, %arg2: memref<32768xf32, #tpu.memory_space<hbm>>, %arg3: memref<32768xf32, #tpu.memory_space<hbm>>, %arg4: memref<16384xi32, #tpu.memory_space<hbm>>, %arg5: memref<32xf32, #tpu.memory_space<hbm>>, %arg6: memref<16384xf32, #tpu.memory_space<hbm>>, %arg7: memref<16384xf32, #tpu.memory_space<hbm>>, %arg8: memref<512xf32, #tpu.memory_space<vmem>>, %arg9: memref<512xf32, #tpu.memory_space<vmem>>, %arg10: memref<512xf32, #tpu.memory_space<vmem>>, %arg11: memref<512xf32, #tpu.memory_space<vmem>>, %arg12: memref<512xi32, #tpu.memory_space<vmem>>, %arg13: memref<32xf32, #tpu.memory_space<vmem>>, %arg14: memref<512xf32, #tpu.memory_space<vmem>>, %arg15: memref<512xf32, #tpu.memory_space<vmem>>, %arg16: memref<!tpu.dma_semaphore, #tpu.memory_space<semaphore_mem>>) attributes {dimension_semantics = [#tpu.dimension_semantics<core_parallel>, #tpu.dimension_semantics<subcore_parallel>], iteration_bounds = array<i64: 2, 16>, scalar_prefetch = 0 : i64, scratch_operands = 9 : i64, tpu.core_type = #tpu.core_type<sc_vector_subcore>, window_params = [{transform_indices = #map}, {transform_indices = #map}, {transform_indices = #map}, {transform_indices = #map}, {transform_indices = #map}, {transform_indices = #map}]} {
    %mul3A = arith.constant 2 : i32
    %mul3A_0 = arith.muli %arg1, %mul3A : i32
    %add3A = arith.addi %mul3A_0, %arg0 : i32
    %mul3A_1 = arith.constant 512 : i32
    %mul3A_2 = arith.muli %add3A, %mul3A_1 : i32
    %dma_start3A = tpu.memref_slice %arg2[%mul3A_2] : memref<32768xf32, #tpu.memory_space<hbm>> -> memref<512xf32, #tpu.memory_space<hbm>>
    %dma_start3A_3 = tpu.memref_slice %arg2[%mul3A_2] : memref<32768xf32, #tpu.memory_space<hbm>> -> memref<512xf32, #tpu.memory_space<hbm>>
    tpu.enqueue_dma source(%dma_start3A_3 : memref<512xf32, #tpu.memory_space<hbm>>) target(%arg8 : memref<512xf32, #tpu.memory_space<vmem>>) target_semaphore(%arg16 : memref<!tpu.dma_semaphore, #tpu.memory_space<semaphore_mem>>)
    %add3A_4 = arith.constant 16384 : i32
    %add3A_5 = arith.addi %add3A_4, %mul3A_2 : i32
    %dma_start3A_6 = tpu.memref_slice %arg2[%add3A_5] : memref<32768xf32, #tpu.memory_space<hbm>> -> memref<512xf32, #tpu.memory_space<hbm>>
    %dma_start3A_7 = tpu.memref_slice %arg2[%add3A_5] : memref<32768xf32, #tpu.memory_space<hbm>> -> memref<512xf32, #tpu.memory_space<hbm>>
    tpu.enqueue_dma source(%dma_start3A_7 : memref<512xf32, #tpu.memory_space<hbm>>) target(%arg9 : memref<512xf32, #tpu.memory_space<vmem>>) target_semaphore(%arg16 : memref<!tpu.dma_semaphore, #tpu.memory_space<semaphore_mem>>)
    %dma_start3A_8 = tpu.memref_slice %arg3[%mul3A_2] : memref<32768xf32, #tpu.memory_space<hbm>> -> memref<512xf32, #tpu.memory_space<hbm>>
    %dma_start3A_9 = tpu.memref_slice %arg3[%mul3A_2] : memref<32768xf32, #tpu.memory_space<hbm>> -> memref<512xf32, #tpu.memory_space<hbm>>
    tpu.enqueue_dma source(%dma_start3A_9 : memref<512xf32, #tpu.memory_space<hbm>>) target(%arg10 : memref<512xf32, #tpu.memory_space<vmem>>) target_semaphore(%arg16 : memref<!tpu.dma_semaphore, #tpu.memory_space<semaphore_mem>>)
    %add3A_10 = arith.constant 16384 : i32
    %add3A_11 = arith.addi %add3A_10, %mul3A_2 : i32
    %dma_start3A_12 = tpu.memref_slice %arg3[%add3A_11] : memref<32768xf32, #tpu.memory_space<hbm>> -> memref<512xf32, #tpu.memory_space<hbm>>
    %dma_start3A_13 = tpu.memref_slice %arg3[%add3A_11] : memref<32768xf32, #tpu.memory_space<hbm>> -> memref<512xf32, #tpu.memory_space<hbm>>
    tpu.enqueue_dma source(%dma_start3A_13 : memref<512xf32, #tpu.memory_space<hbm>>) target(%arg11 : memref<512xf32, #tpu.memory_space<vmem>>) target_semaphore(%arg16 : memref<!tpu.dma_semaphore, #tpu.memory_space<semaphore_mem>>)
    %dma_start3A_14 = tpu.memref_slice %arg4[%mul3A_2] : memref<16384xi32, #tpu.memory_space<hbm>> -> memref<512xi32, #tpu.memory_space<hbm>>
    %dma_start3A_15 = tpu.memref_slice %arg4[%mul3A_2] : memref<16384xi32, #tpu.memory_space<hbm>> -> memref<512xi32, #tpu.memory_space<hbm>>
    tpu.enqueue_dma source(%dma_start3A_15 : memref<512xi32, #tpu.memory_space<hbm>>) target(%arg12 : memref<512xi32, #tpu.memory_space<vmem>>) target_semaphore(%arg16 : memref<!tpu.dma_semaphore, #tpu.memory_space<semaphore_mem>>)
    tpu.enqueue_dma source(%arg5 : memref<32xf32, #tpu.memory_space<hbm>>) target(%arg13 : memref<32xf32, #tpu.memory_space<vmem>>) target_semaphore(%arg16 : memref<!tpu.dma_semaphore, #tpu.memory_space<semaphore_mem>>)
    %dma_wait3A = tpu.memref_slice %arg2[%mul3A_2] : memref<32768xf32, #tpu.memory_space<hbm>> -> memref<512xf32, #tpu.memory_space<hbm>>
    %dma_wait3A_16 = tpu.memref_slice %arg2[%mul3A_2] : memref<32768xf32, #tpu.memory_space<hbm>> -> memref<512xf32, #tpu.memory_space<hbm>>
    tpu.wait_dma2 semaphore(%arg16 : memref<!tpu.dma_semaphore, #tpu.memory_space<semaphore_mem>>) src(%dma_wait3A_16 : memref<512xf32, #tpu.memory_space<hbm>>) dst(%arg8 : memref<512xf32, #tpu.memory_space<vmem>>)
    %dma_wait3A_17 = tpu.memref_slice %arg2[%add3A_5] : memref<32768xf32, #tpu.memory_space<hbm>> -> memref<512xf32, #tpu.memory_space<hbm>>
    %dma_wait3A_18 = tpu.memref_slice %arg2[%add3A_5] : memref<32768xf32, #tpu.memory_space<hbm>> -> memref<512xf32, #tpu.memory_space<hbm>>
    tpu.wait_dma2 semaphore(%arg16 : memref<!tpu.dma_semaphore, #tpu.memory_space<semaphore_mem>>) src(%dma_wait3A_18 : memref<512xf32, #tpu.memory_space<hbm>>) dst(%arg9 : memref<512xf32, #tpu.memory_space<vmem>>)
    %dma_wait3A_19 = tpu.memref_slice %arg3[%mul3A_2] : memref<32768xf32, #tpu.memory_space<hbm>> -> memref<512xf32, #tpu.memory_space<hbm>>
    %dma_wait3A_20 = tpu.memref_slice %arg3[%mul3A_2] : memref<32768xf32, #tpu.memory_space<hbm>> -> memref<512xf32, #tpu.memory_space<hbm>>
    tpu.wait_dma2 semaphore(%arg16 : memref<!tpu.dma_semaphore, #tpu.memory_space<semaphore_mem>>) src(%dma_wait3A_20 : memref<512xf32, #tpu.memory_space<hbm>>) dst(%arg10 : memref<512xf32, #tpu.memory_space<vmem>>)
    %dma_wait3A_21 = tpu.memref_slice %arg3[%add3A_11] : memref<32768xf32, #tpu.memory_space<hbm>> -> memref<512xf32, #tpu.memory_space<hbm>>
    %dma_wait3A_22 = tpu.memref_slice %arg3[%add3A_11] : memref<32768xf32, #tpu.memory_space<hbm>> -> memref<512xf32, #tpu.memory_space<hbm>>
    tpu.wait_dma2 semaphore(%arg16 : memref<!tpu.dma_semaphore, #tpu.memory_space<semaphore_mem>>) src(%dma_wait3A_22 : memref<512xf32, #tpu.memory_space<hbm>>) dst(%arg11 : memref<512xf32, #tpu.memory_space<vmem>>)
    %dma_wait3A_23 = tpu.memref_slice %arg4[%mul3A_2] : memref<16384xi32, #tpu.memory_space<hbm>> -> memref<512xi32, #tpu.memory_space<hbm>>
    %dma_wait3A_24 = tpu.memref_slice %arg4[%mul3A_2] : memref<16384xi32, #tpu.memory_space<hbm>> -> memref<512xi32, #tpu.memory_space<hbm>>
    tpu.wait_dma2 semaphore(%arg16 : memref<!tpu.dma_semaphore, #tpu.memory_space<semaphore_mem>>) src(%dma_wait3A_24 : memref<512xi32, #tpu.memory_space<hbm>>) dst(%arg12 : memref<512xi32, #tpu.memory_space<vmem>>)
    tpu.wait_dma2 semaphore(%arg16 : memref<!tpu.dma_semaphore, #tpu.memory_space<semaphore_mem>>) src(%arg5 : memref<32xf32, #tpu.memory_space<hbm>>) dst(%arg13 : memref<32xf32, #tpu.memory_space<vmem>>)
    %get3A = arith.constant 0 : index
    %get3A_25 = tpu.vector_load %arg13[%get3A] {strides = array<i32>} : memref<32xf32, #tpu.memory_space<vmem>>, vector<16xf32>,
    %get3A_26 = vector.shape_cast %get3A_25 : vector<16xf32> to vector<16xf32>
    %mul3A_27 = arith.constant 5.500000e+00 : f32
    %mul3A_28 = vector.broadcast %mul3A_27 : f32 to vector<16xf32>
    %mul3A_29 = arith.mulf %get3A_26, %mul3A_28 : vector<16xf32>
    %add3A_30 = arith.constant 4.500000e+00 : f32
    %add3A_31 = vector.broadcast %add3A_30 : f32 to vector<16xf32>
    %add3A_32 = arith.addf %mul3A_29, %add3A_31 : vector<16xf32>
    %get3A_33 = arith.constant 16 : index
    %get3A_34 = tpu.vector_load %arg13[%get3A_33] {strides = array<i32>} : memref<32xf32, #tpu.memory_space<vmem>>, vector<16xf32>,
    %get3A_35 = vector.shape_cast %get3A_34 : vector<16xf32> to vector<16xf32>
    %abs3A = math.absf %get3A_35 : vector<16xf32>
    %mul3A_36 = arith.constant 0.949999988 : f32
    %mul3A_37 = vector.broadcast %mul3A_36 : f32 to vector<16xf32>
    %mul3A_38 = arith.mulf %abs3A, %mul3A_37 : vector<16xf32>
    %add3A_39 = arith.constant 1.050000e+00 : f32
    %add3A_40 = vector.broadcast %add3A_39 : f32 to vector<16xf32>
    %add3A_41 = arith.addf %mul3A_38, %add3A_40 : vector<16xf32>
    %add3A_42 = arith.addf %add3A_32, %add3A_41 : vector<16xf32>
    %parallel_loop3A = arith.constant 0 : i32
    %parallel_loop3A_43 = arith.constant 512 : i32
    %parallel_loop3A_44 = arith.constant 16 : i32
    scf.for %parallel_loop3A_53 = %parallel_loop3A to %parallel_loop3A_43 step %parallel_loop3A_44  : i32 {
      %parallel_loop3A_54 = arith.index_cast %parallel_loop3A_53 : i32 to index
      %parallel_loop3A_55 = tpu.vector_load %arg8[%parallel_loop3A_54] {strides = array<i32>} : memref<512xf32, #tpu.memory_space<vmem>>, vector<16xf32>,
      %parallel_loop3A_56 = vector.shape_cast %parallel_loop3A_55 : vector<16xf32> to vector<16xf32>
      %parallel_loop3A_57 = arith.index_cast %parallel_loop3A_53 : i32 to index
      %parallel_loop3A_58 = tpu.vector_load %arg9[%parallel_loop3A_57] {strides = array<i32>} : memref<512xf32, #tpu.memory_space<vmem>>, vector<16xf32>,
      %parallel_loop3A_59 = vector.shape_cast %parallel_loop3A_58 : vector<16xf32> to vector<16xf32>
      %parallel_loop3A_60 = arith.index_cast %parallel_loop3A_53 : i32 to index
      %parallel_loop3A_61 = tpu.vector_load %arg10[%parallel_loop3A_60] {strides = array<i32>} : memref<512xf32, #tpu.memory_space<vmem>>, vector<16xf32>,
      %parallel_loop3A_62 = vector.shape_cast %parallel_loop3A_61 : vector<16xf32> to vector<16xf32>
      %parallel_loop3A_63 = arith.index_cast %parallel_loop3A_53 : i32 to index
      %parallel_loop3A_64 = tpu.vector_load %arg11[%parallel_loop3A_63] {strides = array<i32>} : memref<512xf32, #tpu.memory_space<vmem>>, vector<16xf32>,
      %parallel_loop3A_65 = vector.shape_cast %parallel_loop3A_64 : vector<16xf32> to vector<16xf32>
      %parallel_loop3A_66 = arith.index_cast %parallel_loop3A_53 : i32 to index
      %parallel_loop3A_67 = tpu.vector_load %arg12[%parallel_loop3A_66] {strides = array<i32>} : memref<512xi32, #tpu.memory_space<vmem>>, vector<16xi32>,
      %parallel_loop3A_68 = vector.shape_cast %parallel_loop3A_67 : vector<16xi32> to vector<16xi32>
      %parallel_loop3A_69 = arith.addi %parallel_loop3A_68, %parallel_loop3A_68 : vector<16xi32>
      %parallel_loop3A_70 = arith.constant 1 : i32
      %parallel_loop3A_71 = vector.broadcast %parallel_loop3A_70 : i32 to vector<16xi32>
      %parallel_loop3A_72 = arith.addi %parallel_loop3A_69, %parallel_loop3A_71 : vector<16xi32>
      %parallel_loop3A_73 = arith.constant 0 : i32
      %parallel_loop3A_74 = vector.broadcast %parallel_loop3A_73 : i32 to vector<16xi32>
      %parallel_loop3A_75 = arith.cmpi slt, %parallel_loop3A_69, %parallel_loop3A_74 : vector<16xi32>
      %parallel_loop3A_76 = arith.constant 16 : i32
      %parallel_loop3A_77 = vector.broadcast %parallel_loop3A_76 : i32 to vector<16xi32>
      %parallel_loop3A_78 = arith.addi %parallel_loop3A_69, %parallel_loop3A_77 : vector<16xi32>
      %parallel_loop3A_79 = arith.select %parallel_loop3A_75, %parallel_loop3A_78, %parallel_loop3A_69 : vector<16xi1>, vector<16xi32>
      %parallel_loop3A_80 = vector.shape_cast %parallel_loop3A_79 : vector<16xi32> to vector<16x1xi32>
      %parallel_loop3A_81 = vector.shape_cast %parallel_loop3A_80 : vector<16x1xi32> to vector<16xi32>
      %parallel_loop3A_82 = tpu.dynamic_gather %add3A_32[%parallel_loop3A_81] in [0] : vector<16xf32>, vector<16xi32> -> vector<16xf32>
      %parallel_loop3A_83 = arith.constant 0 : i32
      %parallel_loop3A_84 = vector.broadcast %parallel_loop3A_83 : i32 to vector<16xi32>
      %parallel_loop3A_85 = arith.cmpi slt, %parallel_loop3A_72, %parallel_loop3A_84 : vector<16xi32>
      %parallel_loop3A_86 = arith.constant 16 : i32
      %parallel_loop3A_87 = vector.broadcast %parallel_loop3A_86 : i32 to vector<16xi32>
      %parallel_loop3A_88 = arith.addi %parallel_loop3A_72, %parallel_loop3A_87 : vector<16xi32>
      %parallel_loop3A_89 = arith.select %parallel_loop3A_85, %parallel_loop3A_88, %parallel_loop3A_72 : vector<16xi1>, vector<16xi32>
      %parallel_loop3A_90 = vector.shape_cast %parallel_loop3A_89 : vector<16xi32> to vector<16x1xi32>
      %parallel_loop3A_91 = vector.shape_cast %parallel_loop3A_90 : vector<16x1xi32> to vector<16xi32>
      %parallel_loop3A_92 = tpu.dynamic_gather %add3A_32[%parallel_loop3A_91] in [0] : vector<16xf32>, vector<16xi32> -> vector<16xf32>
      %parallel_loop3A_93 = arith.constant 0 : i32
      %parallel_loop3A_94 = vector.broadcast %parallel_loop3A_93 : i32 to vector<16xi32>
      %parallel_loop3A_95 = arith.cmpi slt, %parallel_loop3A_69, %parallel_loop3A_94 : vector<16xi32>
      %parallel_loop3A_96 = arith.constant 16 : i32
      %parallel_loop3A_97 = vector.broadcast %parallel_loop3A_96 : i32 to vector<16xi32>
      %parallel_loop3A_98 = arith.addi %parallel_loop3A_69, %parallel_loop3A_97 : vector<16xi32>
      %parallel_loop3A_99 = arith.select %parallel_loop3A_95, %parallel_loop3A_98, %parallel_loop3A_69 : vector<16xi1>, vector<16xi32>
      %parallel_loop3A_100 = vector.shape_cast %parallel_loop3A_99 : vector<16xi32> to vector<16x1xi32>
      %parallel_loop3A_101 = vector.shape_cast %parallel_loop3A_100 : vector<16x1xi32> to vector<16xi32>
      %parallel_loop3A_102 = tpu.dynamic_gather %add3A_42[%parallel_loop3A_101] in [0] : vector<16xf32>, vector<16xi32> -> vector<16xf32>
      %parallel_loop3A_103 = arith.constant 0 : i32
      %parallel_loop3A_104 = vector.broadcast %parallel_loop3A_103 : i32 to vector<16xi32>
      %parallel_loop3A_105 = arith.cmpi slt, %parallel_loop3A_72, %parallel_loop3A_104 : vector<16xi32>
      %parallel_loop3A_106 = arith.constant 16 : i32
      %parallel_loop3A_107 = vector.broadcast %parallel_loop3A_106 : i32 to vector<16xi32>
      %parallel_loop3A_108 = arith.addi %parallel_loop3A_72, %parallel_loop3A_107 : vector<16xi32>
      %parallel_loop3A_109 = arith.select %parallel_loop3A_105, %parallel_loop3A_108, %parallel_loop3A_72 : vector<16xi1>, vector<16xi32>
      %parallel_loop3A_110 = vector.shape_cast %parallel_loop3A_109 : vector<16xi32> to vector<16x1xi32>
      %parallel_loop3A_111 = vector.shape_cast %parallel_loop3A_110 : vector<16x1xi32> to vector<16xi32>
      %parallel_loop3A_112 = tpu.dynamic_gather %add3A_42[%parallel_loop3A_111] in [0] : vector<16xf32>, vector<16xi32> -> vector<16xf32>
      %parallel_loop3A_113 = math.absf %parallel_loop3A_56 : vector<16xf32>
      %parallel_loop3A_114 = arith.constant 5.500000e+00 : f32
      %parallel_loop3A_115 = vector.broadcast %parallel_loop3A_114 : f32 to vector<16xf32>
      %parallel_loop3A_116 = arith.mulf %parallel_loop3A_113, %parallel_loop3A_115 : vector<16xf32>
      %parallel_loop3A_117 = arith.constant 4.500000e+00 : f32
      %parallel_loop3A_118 = vector.broadcast %parallel_loop3A_117 : f32 to vector<16xf32>
      %parallel_loop3A_119 = arith.addf %parallel_loop3A_116, %parallel_loop3A_118 : vector<16xf32>
      %parallel_loop3A_120 = math.absf %parallel_loop3A_59 : vector<16xf32>
      %parallel_loop3A_121 = arith.constant 5.500000e+00 : f32
      %parallel_loop3A_122 = vector.broadcast %parallel_loop3A_121 : f32 to vector<16xf32>
      %parallel_loop3A_123 = arith.mulf %parallel_loop3A_120, %parallel_loop3A_122 : vector<16xf32>
      %parallel_loop3A_124 = arith.constant 4.500000e+00 : f32
      %parallel_loop3A_125 = vector.broadcast %parallel_loop3A_124 : f32 to vector<16xf32>
      %parallel_loop3A_126 = arith.addf %parallel_loop3A_123, %parallel_loop3A_125 : vector<16xf32>
      %parallel_loop3A_127 = math.absf %parallel_loop3A_62 : vector<16xf32>
      %parallel_loop3A_128 = arith.constant 5.500000e+00 : f32
      %parallel_loop3A_129 = vector.broadcast %parallel_loop3A_128 : f32 to vector<16xf32>
      %parallel_loop3A_130 = arith.mulf %parallel_loop3A_127, %parallel_loop3A_129 : vector<16xf32>
      %parallel_loop3A_131 = arith.constant 4.500000e+00 : f32
      %parallel_loop3A_132 = vector.broadcast %parallel_loop3A_131 : f32 to vector<16xf32>
      %parallel_loop3A_133 = arith.addf %parallel_loop3A_130, %parallel_loop3A_132 : vector<16xf32>
      %parallel_loop3A_134 = math.absf %parallel_loop3A_65 : vector<16xf32>
      %parallel_loop3A_135 = arith.constant 5.500000e+00 : f32
      %parallel_loop3A_136 = vector.broadcast %parallel_loop3A_135 : f32 to vector<16xf32>
      %parallel_loop3A_137 = arith.mulf %parallel_loop3A_134, %parallel_loop3A_136 : vector<16xf32>
      %parallel_loop3A_138 = arith.constant 4.500000e+00 : f32
      %parallel_loop3A_139 = vector.broadcast %parallel_loop3A_138 : f32 to vector<16xf32>
      %parallel_loop3A_140 = arith.addf %parallel_loop3A_137, %parallel_loop3A_139 : vector<16xf32>
      %parallel_loop3A_141 = arith.addf %parallel_loop3A_119, %parallel_loop3A_133 : vector<16xf32>
      %parallel_loop3A_142 = arith.addf %parallel_loop3A_126, %parallel_loop3A_140 : vector<16xf32>
      %parallel_loop3A_143 = arith.minimumf %parallel_loop3A_141, %parallel_loop3A_102 : vector<16xf32>
      %parallel_loop3A_144 = arith.maximumf %parallel_loop3A_119, %parallel_loop3A_82 : vector<16xf32>
      %parallel_loop3A_145 = arith.subf %parallel_loop3A_143, %parallel_loop3A_144 : vector<16xf32>
      %parallel_loop3A_146 = arith.minimumf %parallel_loop3A_142, %parallel_loop3A_112 : vector<16xf32>
      %parallel_loop3A_147 = arith.maximumf %parallel_loop3A_126, %parallel_loop3A_92 : vector<16xf32>
      %parallel_loop3A_148 = arith.subf %parallel_loop3A_146, %parallel_loop3A_147 : vector<16xf32>
      %parallel_loop3A_149 = arith.constant 0.000000e+00 : f32
      %parallel_loop3A_150 = vector.broadcast %parallel_loop3A_149 : f32 to vector<16xf32>
      %parallel_loop3A_151 = arith.cmpf ole, %parallel_loop3A_145, %parallel_loop3A_150 : vector<16xf32>
      %parallel_loop3A_152 = arith.constant 0.000000e+00 : f32
      %parallel_loop3A_153 = vector.broadcast %parallel_loop3A_152 : f32 to vector<16xf32>
      %parallel_loop3A_154 = arith.cmpf ole, %parallel_loop3A_148, %parallel_loop3A_153 : vector<16xf32>
      %parallel_loop3A_155 = arith.ori %parallel_loop3A_151, %parallel_loop3A_154 : vector<16xi1>
      %parallel_loop3A_156 = arith.constant 9.99999993E-9 : f32
      %parallel_loop3A_157 = vector.broadcast %parallel_loop3A_156 : f32 to vector<16xf32>
      %parallel_loop3A_158 = arith.maximumf %parallel_loop3A_145, %parallel_loop3A_157 : vector<16xf32>
      %parallel_loop3A_159 = arith.constant 9.99999993E-9 : f32
      %parallel_loop3A_160 = vector.broadcast %parallel_loop3A_159 : f32 to vector<16xf32>
      %parallel_loop3A_161 = arith.maximumf %parallel_loop3A_148, %parallel_loop3A_160 : vector<16xf32>
      %parallel_loop3A_162 = arith.mulf %parallel_loop3A_158, %parallel_loop3A_161 : vector<16xf32>
      %parallel_loop3A_163 = arith.mulf %parallel_loop3A_133, %parallel_loop3A_140 : vector<16xf32>
      %parallel_loop3A_164 = arith.maximumf %parallel_loop3A_141, %parallel_loop3A_102 : vector<16xf32>
      %parallel_loop3A_165 = arith.minimumf %parallel_loop3A_119, %parallel_loop3A_82 : vector<16xf32>
      %parallel_loop3A_166 = arith.subf %parallel_loop3A_164, %parallel_loop3A_165 : vector<16xf32>
      %parallel_loop3A_167 = arith.maximumf %parallel_loop3A_142, %parallel_loop3A_112 : vector<16xf32>
      %parallel_loop3A_168 = arith.minimumf %parallel_loop3A_126, %parallel_loop3A_92 : vector<16xf32>
      %parallel_loop3A_169 = arith.subf %parallel_loop3A_167, %parallel_loop3A_168 : vector<16xf32>
      %parallel_loop3A_170 = arith.mulf %parallel_loop3A_166, %parallel_loop3A_169 : vector<16xf32>
      %parallel_loop3A_171 = arith.subf %parallel_loop3A_102, %parallel_loop3A_82 : vector<16xf32>
      %parallel_loop3A_172 = arith.subf %parallel_loop3A_112, %parallel_loop3A_92 : vector<16xf32>
      %parallel_loop3A_173 = arith.mulf %parallel_loop3A_171, %parallel_loop3A_172 : vector<16xf32>
      %parallel_loop3A_174 = tpu.bitcast %parallel_loop3A_163 : vector<16xf32> -> vector<16xi32>
      %parallel_loop3A_175 = arith.constant 1060439283 : i32
      %parallel_loop3A_176 = vector.broadcast %parallel_loop3A_175 : i32 to vector<16xi32>
      %parallel_loop3A_177 = arith.subi %parallel_loop3A_174, %parallel_loop3A_176 : vector<16xi32>
      %parallel_loop3A_178 = arith.constant 23 : i32
      %parallel_loop3A_179 = vector.broadcast %parallel_loop3A_178 : i32 to vector<16xi32>
      %parallel_loop3A_180 = arith.shrsi %parallel_loop3A_177, %parallel_loop3A_179 : vector<16xi32>
      %parallel_loop3A_181 = arith.constant 23 : i32
      %parallel_loop3A_182 = vector.broadcast %parallel_loop3A_181 : i32 to vector<16xi32>
      %parallel_loop3A_183 = arith.shli %parallel_loop3A_180, %parallel_loop3A_182 : vector<16xi32>
      %parallel_loop3A_184 = arith.subi %parallel_loop3A_174, %parallel_loop3A_183 : vector<16xi32>
      %parallel_loop3A_185 = tpu.bitcast %parallel_loop3A_184 : vector<16xi32> -> vector<16xf32>
      %parallel_loop3A_186 = arith.constant 1.000000e+00 : f32
      %parallel_loop3A_187 = vector.broadcast %parallel_loop3A_186 : f32 to vector<16xf32>
      %parallel_loop3A_188 = arith.subf %parallel_loop3A_185, %parallel_loop3A_187 : vector<16xf32>
      %parallel_loop3A_189 = arith.constant -0.139312625 : f32
      %parallel_loop3A_190 = vector.broadcast %parallel_loop3A_189 : f32 to vector<16xf32>
      %parallel_loop3A_191 = arith.mulf %parallel_loop3A_188, %parallel_loop3A_190 : vector<16xf32>
      %parallel_loop3A_192 = arith.constant 0.222949952 : f32
      %parallel_loop3A_193 = vector.broadcast %parallel_loop3A_192 : f32 to vector<16xf32>
      %parallel_loop3A_194 = arith.addf %parallel_loop3A_193, %parallel_loop3A_191 : vector<16xf32>
      %parallel_loop3A_195 = arith.mulf %parallel_loop3A_188, %parallel_loop3A_194 : vector<16xf32>
      %parallel_loop3A_196 = arith.constant -0.255647719 : f32
      %parallel_loop3A_197 = vector.broadcast %parallel_loop3A_196 : f32 to vector<16xf32>
      %parallel_loop3A_198 = arith.addf %parallel_loop3A_197, %parallel_loop3A_195 : vector<16xf32>
      %parallel_loop3A_199 = arith.mulf %parallel_loop3A_188, %parallel_loop3A_198 : vector<16xf32>
      %parallel_loop3A_200 = arith.constant 0.332289428 : f32
      %parallel_loop3A_201 = vector.broadcast %parallel_loop3A_200 : f32 to vector<16xf32>
      %parallel_loop3A_202 = arith.addf %parallel_loop3A_201, %parallel_loop3A_199 : vector<16xf32>
      %parallel_loop3A_203 = arith.mulf %parallel_loop3A_188, %parallel_loop3A_202 : vector<16xf32>
      %parallel_loop3A_204 = arith.constant -0.499786168 : f32
      %parallel_loop3A_205 = vector.broadcast %parallel_loop3A_204 : f32 to vector<16xf32>
      %parallel_loop3A_206 = arith.addf %parallel_loop3A_205, %parallel_loop3A_203 : vector<16xf32>
      %parallel_loop3A_207 = arith.mulf %parallel_loop3A_188, %parallel_loop3A_206 : vector<16xf32>
      %parallel_loop3A_208 = arith.constant 1.00001299 : f32
      %parallel_loop3A_209 = vector.broadcast %parallel_loop3A_208 : f32 to vector<16xf32>
      %parallel_loop3A_210 = arith.addf %parallel_loop3A_209, %parallel_loop3A_207 : vector<16xf32>
      %parallel_loop3A_211 = arith.mulf %parallel_loop3A_188, %parallel_loop3A_210 : vector<16xf32>
      %parallel_loop3A_212 = arith.sitofp %parallel_loop3A_180 : vector<16xi32> to vector<16xf32>
      %parallel_loop3A_213 = arith.constant 0.693147182 : f32
      %parallel_loop3A_214 = vector.broadcast %parallel_loop3A_213 : f32 to vector<16xf32>
      %parallel_loop3A_215 = arith.mulf %parallel_loop3A_212, %parallel_loop3A_214 : vector<16xf32>
      %parallel_loop3A_216 = arith.addf %parallel_loop3A_215, %parallel_loop3A_211 : vector<16xf32>
      %parallel_loop3A_217 = arith.subf %parallel_loop3A_170, %parallel_loop3A_163 : vector<16xf32>
      %parallel_loop3A_218 = arith.subf %parallel_loop3A_217, %parallel_loop3A_173 : vector<16xf32>
      %parallel_loop3A_219 = arith.constant 9.99999993E-9 : f32
      %parallel_loop3A_220 = vector.broadcast %parallel_loop3A_219 : f32 to vector<16xf32>
      %parallel_loop3A_221 = arith.mulf %parallel_loop3A_220, %parallel_loop3A_170 : vector<16xf32>
      %parallel_loop3A_222 = arith.maximumf %parallel_loop3A_218, %parallel_loop3A_221 : vector<16xf32>
      %parallel_loop3A_223 = arith.select %parallel_loop3A_155, %parallel_loop3A_222, %parallel_loop3A_162 : vector<16xi1>, vector<16xf32>
      %parallel_loop3A_224 = arith.subf %parallel_loop3A_163, %parallel_loop3A_162 : vector<16xf32>
      %parallel_loop3A_225 = arith.constant 9.99999993E-9 : f32
      %parallel_loop3A_226 = vector.broadcast %parallel_loop3A_225 : f32 to vector<16xf32>
      %parallel_loop3A_227 = arith.mulf %parallel_loop3A_226, %parallel_loop3A_163 : vector<16xf32>
      %parallel_loop3A_228 = arith.maximumf %parallel_loop3A_224, %parallel_loop3A_227 : vector<16xf32>
      %parallel_loop3A_229 = arith.select %parallel_loop3A_155, %parallel_loop3A_163, %parallel_loop3A_228 : vector<16xi1>, vector<16xf32>
      %parallel_loop3A_230 = tpu.bitcast %parallel_loop3A_223 : vector<16xf32> -> vector<16xi32>
      %parallel_loop3A_231 = arith.constant 1060439283 : i32
      %parallel_loop3A_232 = vector.broadcast %parallel_loop3A_231 : i32 to vector<16xi32>
      %parallel_loop3A_233 = arith.subi %parallel_loop3A_230, %parallel_loop3A_232 : vector<16xi32>
      %parallel_loop3A_234 = arith.constant 23 : i32
      %parallel_loop3A_235 = vector.broadcast %parallel_loop3A_234 : i32 to vector<16xi32>
      %parallel_loop3A_236 = arith.shrsi %parallel_loop3A_233, %parallel_loop3A_235 : vector<16xi32>
      %parallel_loop3A_237 = arith.constant 23 : i32
      %parallel_loop3A_238 = vector.broadcast %parallel_loop3A_237 : i32 to vector<16xi32>
      %parallel_loop3A_239 = arith.shli %parallel_loop3A_236, %parallel_loop3A_238 : vector<16xi32>
      %parallel_loop3A_240 = arith.subi %parallel_loop3A_230, %parallel_loop3A_239 : vector<16xi32>
      %parallel_loop3A_241 = tpu.bitcast %parallel_loop3A_240 : vector<16xi32> -> vector<16xf32>
      %parallel_loop3A_242 = arith.constant 1.000000e+00 : f32
      %parallel_loop3A_243 = vector.broadcast %parallel_loop3A_242 : f32 to vector<16xf32>
      %parallel_loop3A_244 = arith.subf %parallel_loop3A_241, %parallel_loop3A_243 : vector<16xf32>
      %parallel_loop3A_245 = arith.constant -0.139312625 : f32
      %parallel_loop3A_246 = vector.broadcast %parallel_loop3A_245 : f32 to vector<16xf32>
      %parallel_loop3A_247 = arith.mulf %parallel_loop3A_244, %parallel_loop3A_246 : vector<16xf32>
      %parallel_loop3A_248 = arith.constant 0.222949952 : f32
      %parallel_loop3A_249 = vector.broadcast %parallel_loop3A_248 : f32 to vector<16xf32>
      %parallel_loop3A_250 = arith.addf %parallel_loop3A_249, %parallel_loop3A_247 : vector<16xf32>
      %parallel_loop3A_251 = arith.mulf %parallel_loop3A_244, %parallel_loop3A_250 : vector<16xf32>
      %parallel_loop3A_252 = arith.constant -0.255647719 : f32
      %parallel_loop3A_253 = vector.broadcast %parallel_loop3A_252 : f32 to vector<16xf32>
      %parallel_loop3A_254 = arith.addf %parallel_loop3A_253, %parallel_loop3A_251 : vector<16xf32>
      %parallel_loop3A_255 = arith.mulf %parallel_loop3A_244, %parallel_loop3A_254 : vector<16xf32>
      %parallel_loop3A_256 = arith.constant 0.332289428 : f32
      %parallel_loop3A_257 = vector.broadcast %parallel_loop3A_256 : f32 to vector<16xf32>
      %parallel_loop3A_258 = arith.addf %parallel_loop3A_257, %parallel_loop3A_255 : vector<16xf32>
      %parallel_loop3A_259 = arith.mulf %parallel_loop3A_244, %parallel_loop3A_258 : vector<16xf32>
      %parallel_loop3A_260 = arith.constant -0.499786168 : f32
      %parallel_loop3A_261 = vector.broadcast %parallel_loop3A_260 : f32 to vector<16xf32>
      %parallel_loop3A_262 = arith.addf %parallel_loop3A_261, %parallel_loop3A_259 : vector<16xf32>
      %parallel_loop3A_263 = arith.mulf %parallel_loop3A_244, %parallel_loop3A_262 : vector<16xf32>
      %parallel_loop3A_264 = arith.constant 1.00001299 : f32
      %parallel_loop3A_265 = vector.broadcast %parallel_loop3A_264 : f32 to vector<16xf32>
      %parallel_loop3A_266 = arith.addf %parallel_loop3A_265, %parallel_loop3A_263 : vector<16xf32>
      %parallel_loop3A_267 = arith.mulf %parallel_loop3A_244, %parallel_loop3A_266 : vector<16xf32>
      %parallel_loop3A_268 = arith.sitofp %parallel_loop3A_236 : vector<16xi32> to vector<16xf32>
      %parallel_loop3A_269 = arith.constant 0.693147182 : f32
      %parallel_loop3A_270 = vector.broadcast %parallel_loop3A_269 : f32 to vector<16xf32>
      %parallel_loop3A_271 = arith.mulf %parallel_loop3A_268, %parallel_loop3A_270 : vector<16xf32>
      %parallel_loop3A_272 = arith.addf %parallel_loop3A_271, %parallel_loop3A_267 : vector<16xf32>
      %parallel_loop3A_273 = arith.subf %parallel_loop3A_216, %parallel_loop3A_272 : vector<16xf32>
      %parallel_loop3A_274 = arith.index_cast %parallel_loop3A_53 : i32 to index
      %parallel_loop3A_275 = tpu.vector_load %arg14[%parallel_loop3A_274] {strides = array<i32>} : memref<512xf32, #tpu.memory_space<vmem>>, vector<16xf32>,
      %parallel_loop3A_276 = vector.shape_cast %parallel_loop3A_275 : vector<16xf32> to vector<16xf32>
      %parallel_loop3A_277 = vector.shape_cast %parallel_loop3A_273 : vector<16xf32> to vector<16xf32>
      tpu.vector_store %arg14[%parallel_loop3A_274], %parallel_loop3A_277 {strides = array<i32>} : memref<512xf32, #tpu.memory_space<vmem>>, vector<16xf32>,
      %parallel_loop3A_278 = tpu.bitcast %parallel_loop3A_229 : vector<16xf32> -> vector<16xi32>
      %parallel_loop3A_279 = arith.constant 1060439283 : i32
      %parallel_loop3A_280 = vector.broadcast %parallel_loop3A_279 : i32 to vector<16xi32>
      %parallel_loop3A_281 = arith.subi %parallel_loop3A_278, %parallel_loop3A_280 : vector<16xi32>
      %parallel_loop3A_282 = arith.constant 23 : i32
      %parallel_loop3A_283 = vector.broadcast %parallel_loop3A_282 : i32 to vector<16xi32>
      %parallel_loop3A_284 = arith.shrsi %parallel_loop3A_281, %parallel_loop3A_283 : vector<16xi32>
      %parallel_loop3A_285 = arith.constant 23 : i32
      %parallel_loop3A_286 = vector.broadcast %parallel_loop3A_285 : i32 to vector<16xi32>
      %parallel_loop3A_287 = arith.shli %parallel_loop3A_284, %parallel_loop3A_286 : vector<16xi32>
      %parallel_loop3A_288 = arith.subi %parallel_loop3A_278, %parallel_loop3A_287 : vector<16xi32>
      %parallel_loop3A_289 = tpu.bitcast %parallel_loop3A_288 : vector<16xi32> -> vector<16xf32>
      %parallel_loop3A_290 = arith.constant 1.000000e+00 : f32
      %parallel_loop3A_291 = vector.broadcast %parallel_loop3A_290 : f32 to vector<16xf32>
      %parallel_loop3A_292 = arith.subf %parallel_loop3A_289, %parallel_loop3A_291 : vector<16xf32>
      %parallel_loop3A_293 = arith.constant -0.139312625 : f32
      %parallel_loop3A_294 = vector.broadcast %parallel_loop3A_293 : f32 to vector<16xf32>
      %parallel_loop3A_295 = arith.mulf %parallel_loop3A_292, %parallel_loop3A_294 : vector<16xf32>
      %parallel_loop3A_296 = arith.constant 0.222949952 : f32
      %parallel_loop3A_297 = vector.broadcast %parallel_loop3A_296 : f32 to vector<16xf32>
      %parallel_loop3A_298 = arith.addf %parallel_loop3A_297, %parallel_loop3A_295 : vector<16xf32>
      %parallel_loop3A_299 = arith.mulf %parallel_loop3A_292, %parallel_loop3A_298 : vector<16xf32>
      %parallel_loop3A_300 = arith.constant -0.255647719 : f32
      %parallel_loop3A_301 = vector.broadcast %parallel_loop3A_300 : f32 to vector<16xf32>
      %parallel_loop3A_302 = arith.addf %parallel_loop3A_301, %parallel_loop3A_299 : vector<16xf32>
      %parallel_loop3A_303 = arith.mulf %parallel_loop3A_292, %parallel_loop3A_302 : vector<16xf32>
      %parallel_loop3A_304 = arith.constant 0.332289428 : f32
      %parallel_loop3A_305 = vector.broadcast %parallel_loop3A_304 : f32 to vector<16xf32>
      %parallel_loop3A_306 = arith.addf %parallel_loop3A_305, %parallel_loop3A_303 : vector<16xf32>
      %parallel_loop3A_307 = arith.mulf %parallel_loop3A_292, %parallel_loop3A_306 : vector<16xf32>
      %parallel_loop3A_308 = arith.constant -0.499786168 : f32
      %parallel_loop3A_309 = vector.broadcast %parallel_loop3A_308 : f32 to vector<16xf32>
      %parallel_loop3A_310 = arith.addf %parallel_loop3A_309, %parallel_loop3A_307 : vector<16xf32>
      %parallel_loop3A_311 = arith.mulf %parallel_loop3A_292, %parallel_loop3A_310 : vector<16xf32>
      %parallel_loop3A_312 = arith.constant 1.00001299 : f32
      %parallel_loop3A_313 = vector.broadcast %parallel_loop3A_312 : f32 to vector<16xf32>
      %parallel_loop3A_314 = arith.addf %parallel_loop3A_313, %parallel_loop3A_311 : vector<16xf32>
      %parallel_loop3A_315 = arith.mulf %parallel_loop3A_292, %parallel_loop3A_314 : vector<16xf32>
      %parallel_loop3A_316 = arith.sitofp %parallel_loop3A_284 : vector<16xi32> to vector<16xf32>
      %parallel_loop3A_317 = arith.constant 0.693147182 : f32
      %parallel_loop3A_318 = vector.broadcast %parallel_loop3A_317 : f32 to vector<16xf32>
      %parallel_loop3A_319 = arith.mulf %parallel_loop3A_316, %parallel_loop3A_318 : vector<16xf32>
      %parallel_loop3A_320 = arith.addf %parallel_loop3A_319, %parallel_loop3A_315 : vector<16xf32>
      %parallel_loop3A_321 = arith.subf %parallel_loop3A_216, %parallel_loop3A_320 : vector<16xf32>
      %parallel_loop3A_322 = arith.index_cast %parallel_loop3A_53 : i32 to index
      %parallel_loop3A_323 = tpu.vector_load %arg15[%parallel_loop3A_322] {strides = array<i32>} : memref<512xf32, #tpu.memory_space<vmem>>, vector<16xf32>,
      %parallel_loop3A_324 = vector.shape_cast %parallel_loop3A_323 : vector<16xf32> to vector<16xf32>
      %parallel_loop3A_325 = vector.shape_cast %parallel_loop3A_321 : vector<16xf32> to vector<16xf32>
      tpu.vector_store %arg15[%parallel_loop3A_322], %parallel_loop3A_325 {strides = array<i32>} : memref<512xf32, #tpu.memory_space<vmem>>, vector<16xf32>,
    } {sc.loop_unroll_factor = 4 : i64, sc.parallel_access}
    %dma_start3A_45 = tpu.memref_slice %arg6[%mul3A_2] : memref<16384xf32, #tpu.memory_space<hbm>> -> memref<512xf32, #tpu.memory_space<hbm>>
    %dma_start3A_46 = tpu.memref_slice %arg6[%mul3A_2] : memref<16384xf32, #tpu.memory_space<hbm>> -> memref<512xf32, #tpu.memory_space<hbm>>
    tpu.enqueue_dma source(%arg14 : memref<512xf32, #tpu.memory_space<vmem>>) target(%dma_start3A_46 : memref<512xf32, #tpu.memory_space<hbm>>) target_semaphore(%arg16 : memref<!tpu.dma_semaphore, #tpu.memory_space<semaphore_mem>>)
    %dma_start3A_47 = tpu.memref_slice %arg7[%mul3A_2] : memref<16384xf32, #tpu.memory_space<hbm>> -> memref<512xf32, #tpu.memory_space<hbm>>
    %dma_start3A_48 = tpu.memref_slice %arg7[%mul3A_2] : memref<16384xf32, #tpu.memory_space<hbm>> -> memref<512xf32, #tpu.memory_space<hbm>>
    tpu.enqueue_dma source(%arg15 : memref<512xf32, #tpu.memory_space<vmem>>) target(%dma_start3A_48 : memref<512xf32, #tpu.memory_space<hbm>>) target_semaphore(%arg16 : memref<!tpu.dma_semaphore, #tpu.memory_space<semaphore_mem>>)
    %dma_wait3A_49 = tpu.memref_slice %arg6[%mul3A_2] : memref<16384xf32, #tpu.memory_space<hbm>> -> memref<512xf32, #tpu.memory_space<hbm>>
    %dma_wait3A_50 = tpu.memref_slice %arg6[%mul3A_2] : memref<16384xf32, #tpu.memory_space<hbm>> -> memref<512xf32, #tpu.memory_space<hbm>>
    tpu.wait_dma2 semaphore(%arg16 : memref<!tpu.dma_semaphore, #tpu.memory_space<semaphore_mem>>) src(%arg14 : memref<512xf32, #tpu.memory_space<vmem>>) dst(%dma_wait3A_50 : memref<512xf32, #tpu.memory_space<hbm>>)
    %dma_wait3A_51 = tpu.memref_slice %arg7[%mul3A_2] : memref<16384xf32, #tpu.memory_space<hbm>> -> memref<512xf32, #tpu.memory_space<hbm>>
    %dma_wait3A_52 = tpu.memref_slice %arg7[%mul3A_2] : memref<16384xf32, #tpu.memory_space<hbm>> -> memref<512xf32, #tpu.memory_space<hbm>>
    tpu.wait_dma2 semaphore(%arg16 : memref<!tpu.dma_semaphore, #tpu.memory_space<semaphore_mem>>) src(%arg15 : memref<512xf32, #tpu.memory_space<vmem>>) dst(%dma_wait3A_52 : memref<512xf32, #tpu.memory_space<hbm>>)
    return
  }
}

</mosaic_0001>

<sc_bundles>
// kernel: kernel.3.cloned.1.call-start
scs
__scs_entry_jumppad:
0x0: {  	(pc) =	sbr.rel $0x88, $3  }
0x1: {  	(tag) =	ssettag $0x0;
	lr =	simm.s32 $0x1  }
0x2: {  	[smem:$0x3F9C] =	sst lr;
	_ =	strace $0xD0000000  }
0x3: {  	_ = 	snop  }
0x4: {  	_ = 	snop  }
0x5: {  	_ = 	snop  }
0x6: {  	_ = 	snop  }
0x7: {  	_ = 	snop  }
__scs_overlays_trampoline_lowered:
0x8: {  	[smem:$0x3FAB] =	sst s0  }
0x9: {  	[smem:$0x3FAC] =	sst s1  }
0xa: {  	[smem:$0x3FAD] =	sst s2  }
0xb: {  	[smem:$0x3FAE] =	sst s3  }
0xc: {  	[smem:$0x3FAF] =	sst s4  }
0xd: {  	[smem:$0x3FB0] =	sst s5  }
0xe: {  	[smem:$0x3FB1] =	sst s6  }
0xf: {  	[smem:$0x3FB2] =	sst s7  }
0x10: {  	[smem:$0x3FB3] =	sst s8  }
0x11: {  	[smem:$0x3FB4] =	sst s9;
	s0 =	simm.s32 @!p0 $0x0  }
0x12: {  	s1 =	sld [smem:$0x3F9A];
	s0 =	simm.s32 @p0 $0x1  }
0x13: {  	[smem:$0x3FB5] =	sst s0;
	s0 =	simm.s32 @!p1 $0x0  }
0x14: {  	s2 =	sld [smem:$0x3F99];
	s0 =	simm.s32 @p1 $0x1  }
0x15: {  	[smem:$0x3FB6] =	sst s0;
	s0 =	simm.s32 @!p2 $0x0  }
0x16: {  	s3 =	sld [smem:$0x3FDB];
	s0 =	simm.s32 @p2 $0x1  }
0x17: {  	s4 =	simm.s32 $0x1BF5;
	[smem:$0x3FB8] =	sst s0  }
0x18: {  	s0 =	sld [smem:$0x3F9B];
	_ =	swait.ge [sflag:s4], $0x0  }
0x19: {  	s7 =	sld [smem:$0x3F9C]  }
0x1a: {  	s8 =	sadd.s32 $0xFFFFE003, lr  }
0x1b: {  	s9 =	sadd.s32 $0xFFFFFEF7, lr;
	s5 =	simm.s32 $0xFFFFFFFF;
	p2 =	slt.u32 s8, $0xFFFFF086  }
0x1c: {  	p1 =	slt.u32 s9, $0xF7A;
	s5 =	simm.s32 @!p2 $0x0  }
0x1d: {  	s5 =	simm.s32 @p1 $0x1;
	p0 =	seq.s32 s7, s2  }
0x1e: {  	s7 =	smul.u32 @!p0 $0xF7A, s2;
	p2 =	seq.s32 @!p0 s5, $0x0  }
0x1f: {  	s9 =	smul.u32 $0xF7A, s1;
	s8 =	simm.s32 @!p0 $0x1BF5;
	p2 =	por !p2, p0  }
0x20: {  	[sflag:s8] =	ssyncset.s32 @!p0 $0xFFFFF086;
	s6 =	sadd.s32 @!p0 s3, s7;
	s7 =	simm.s32 @!p0 $0x108  }
0x21: {  	s3 =	sadd.s32 s3, s9;
	s6 =	sadd.s32 @!p0 $0x88, s6;
	s7 =	simm.s32 @p2 $0x1082  }
0x22: {  	[simem:s7], [sflag:s8] =	dma.local @!p0 [hbm:s6], $0xF7A  }
0x23: {  	s9 =	sor.u32 $0xD0000000, s2;
	s6 =	simm.s32 $0x108;
	_ =	swait.ge @!p0 [sflag:s8], $0x0  }
0x24: {  	s3 =	sadd.s32 $0x88, s3;
	s6 =	simm.s32 @!p1 $0x1082;
	[sflag:s4] =	ssyncset.s32 $0xFFFFF086  }
0x25: {  	[simem:s6], [sflag:s4] =	dma.local [hbm:s3], $0xF7A  }
0x26: {  	[smem:$0x3F9C] =	sst s1;
	(tag) =	ssettag s2;
	_ =	strace s9  }
0x27: {  	s1 =	sld [smem:$0x3FAC]  }
0x28: {  	s2 =	sld [smem:$0x3FAD]  }
0x29: {  	s4 =	sld [smem:$0x3FAF]  }
0x2a: {  	p0 =	seq.s32 s5, $0x0;
	s5 =	sld [smem:$0x3FB0]  }
0x2b: {  	s6 =	sld [smem:$0x3FB1]  }
0x2c: {  	s7 =	sld [smem:$0x3FB2]  }
0x2d: {  	s3 =	simm.s32 $0x108;
	s8 =	sld [smem:$0x3FB3]  }
0x2e: {  	s3 =	simm.s32 @!p0 $0x1082;
	s9 =	sld [smem:$0x3FB4]  }
0x2f: {  	lr =	sadd.s32 s0, s3;
	s0 =	sld [smem:$0x3FAB]  }
0x30: {  	s3 =	sld [smem:$0x3FAE]  }
0x31: {  	[smem:$0x3FB7] =	sst s10  }
0x32: {  	s10 =	sld [smem:$0x3FB5];
	_ =	sdelay $0x3  }
0x33: {  	p0 =	seq.s32 s10, $0x1;
	s10 =	sld [smem:$0x3FB7];
	_ =	sdelay $0x3  }
0x34: {  	[smem:$0x3FB7] =	sst s10  }
0x35: {  	s10 =	sld [smem:$0x3FB6];
	_ =	sdelay $0x3  }
0x36: {  	p1 =	seq.s32 s10, $0x1;
	s10 =	sld [smem:$0x3FB7];
	_ =	sdelay $0x3  }
0x37: {  	[smem:$0x3FB7] =	sst s10  }
0x38: {  	s10 =	sld [smem:$0x3FB8]  }
0x39: {  	_ = 	snop;
	(pc) =	sbr.ind lr, $3  }
0x3a: {  	_ = 	snop  }
0x3b: {  	_ = 	snop  }
0x3c: {  	p2 =	seq.s32 s10, $0x1;
	s10 =	sld [smem:$0x3FB7]  }
0x3d: {  	_ =	shalt  }
0x3e: {  	_ =	shalt  }
0x3f: {  	_ =	shalt  }
0x40: {  	_ =	shalt  }
0x41: {  	_ =	shalt  }
0x42: {  	_ =	shalt  }
0x43: {  	_ =	shalt  }
0x44: {  	_ =	shalt  }
0x45: {  	_ =	shalt  }
0x46: {  	_ =	shalt  }
0x47: {  	_ =	shalt  }
0x48: {  	_ =	shalt  }
0x49: {  	_ =	shalt  }
0x4a: {  	_ =	shalt  }
0x4b: {  	_ =	shalt  }
0x4c: {  	_ =	shalt  }
0x4d: {  	_ =	shalt  }
0x4e: {  	_ =	shalt  }
0x4f: {  	_ =	shalt  }
0x50: {  	_ =	shalt  }
0x51: {  	_ =	shalt  }
0x52: {  	_ =	shalt  }
0x53: {  	_ =	shalt  }
0x54: {  	_ =	shalt  }
0x55: {  	_ =	shalt  }
0x56: {  	_ =	shalt  }
0x57: {  	_ =	shalt  }
0x58: {  	_ =	shalt  }
0x59: {  	_ =	shalt  }
0x5a: {  	_ =	shalt  }
0x5b: {  	_ =	shalt  }
0x5c: {  	_ =	shalt  }
0x5d: {  	_ =	shalt  }
0x5e: {  	_ =	shalt  }
0x5f: {  	_ =	shalt  }
0x60: {  	_ =	shalt  }
0x61: {  	_ =	shalt  }
0x62: {  	_ =	shalt  }
0x63: {  	_ =	shalt  }
0x64: {  	_ =	shalt  }
0x65: {  	_ =	shalt  }
0x66: {  	_ =	shalt  }
0x67: {  	_ =	shalt  }
0x68: {  	_ =	shalt  }
0x69: {  	_ =	shalt  }
0x6a: {  	_ =	shalt  }
0x6b: {  	_ =	shalt  }
0x6c: {  	_ =	shalt  }
0x6d: {  	_ =	shalt  }
0x6e: {  	_ =	shalt  }
0x6f: {  	_ =	shalt  }
0x70: {  	_ =	shalt  }
0x71: {  	_ =	shalt  }
0x72: {  	_ =	shalt  }
0x73: {  	_ =	shalt  }
0x74: {  	_ =	shalt  }
0x75: {  	_ =	shalt  }
0x76: {  	_ =	shalt  }
0x77: {  	_ =	shalt  }
0x78: {  	_ =	shalt  }
0x79: {  	_ =	shalt  }
0x7a: {  	_ =	shalt  }
0x7b: {  	_ =	shalt  }
0x7c: {  	_ =	shalt  }
0x7d: {  	_ =	shalt  }
0x7e: {  	_ =	shalt  }
0x7f: {  	_ =	shalt  }
0x80: {  	_ =	shalt  }
0x81: {  	_ =	shalt  }
0x82: {  	_ =	shalt  }
0x83: {  	_ =	shalt  }
0x84: {  	_ =	shalt  }
0x85: {  	_ =	shalt  }
0x86: {  	_ =	shalt  }
0x87: {  	_ =	shalt  }
.Lfunc_end0:
.L_simem_size_0:
called_computation_lowered:
.L_overlay_start_0:
0x88: {  	s2 =	sld [smem:$0x3FD9]  }
0x89: {  	s3 =	sld [smem:$0x3FFE];
	_ =	sdelay $0x1  }
0x8a: {  	s1 =	srdreg.scid  }
0x8b: {  	s0 =	sand.u32 $0x1, s1  }
0x8c: {  	s14 =	sshll.u32 s0, $0xA;
	s2 =	sadd.s32 s3, s2  }
0x8d: {  	s2 =	sadd.s32 s2, s14  }
0x8e: {  	[smem:$0x3FC3] =	sst s2  }
0x8f: {  	_ = 	snop  }
0x90: {  	s2 =	sld [smem:$0x3FD0];
	_ =	sdelay $0x2  }
0x91: {  	s4 =	simm.s32 $0xA;
	s5 =	simm.s32 $0x10;
	s15 =	sld [smem:$0x3FC7]  }
0x92: {  	[smem:s5], [sflag:s4] =	dma.local [hbm:s2], $0x1  }
0x93: {  	_ =	swait.eq [sflag:s4], $0x1  }
0x94: {  	[sflag:s4] =	ssyncset.done $0x0  }
0x95: {  	s16 =	sld [smem:$0x10];
	[sflag:s4] =	ssyncadd.s32 $0xFFFFFFFF  }
0x96: {  	s17 =	sld [smem:$0x11];
	(tm) =	ssettm $0x1  }
0x97: {  	s18 =	sld [smem:$0x3FFB];
	_ =	sdelay $0x3  }
0x98: {  	_ =	strace s18  }
0x99: {  	s5 =	sld [smem:$0x3FFC];
	_ =	sdelay $0x3  }
0x9a: {  	_ =	strace s5  }
0x9b: {  	s5 =	sld [smem:$0x3FFD];
	_ =	sdelay $0x3  }
0x9c: {  	_ =	strace s5  }
0x9d: {  	_ =	strace $0x8FFFFFFF  }
0x9e: {  	s19 =	sld [smem:$0x3FDB];
	_ =	sdelay $0x1  }
0x9f: {  	s6 =	simm.s32 $_scs_section_size  }
0xa0: {  	s7 =	simm.s32 $_size__tile_overlayer_lowered;
	s8 =	simm.s32 $_tile_overlayer_lowered  }
0xa1: {  	s22 =	simm.s32 $0x1BFF;
	s21 =	sshll.u32 s8, $0x1;
	s5 =	sadd.s32 s6, s19  }
0xa2: {  	s9 =	simm.s32 $0x0;
	s20 =	sshll.u32 s7, $0x1;
	s7 =	sadd.s32 s21, s5  }
0xa3: {  	[timem:s9], [sflag:s22] =	dma.local [hbm:s7], s20  }
0xa4: {  	_ =	swait.ge [sflag:s22], s20  }
0xa5: {  	s6 =	ssub.s32 $0x0, s20;
	[sflag:s22] =	ssyncset.done $0x0  }
0xa6: {  	[sflag:s22] =	ssyncadd.s32 s6;
	_ =	sdelay $0x1  }
0xa7: {  	s23 =	simm.s32 $0x1B8B  }
0xa8: {  	_ =	swait.ge [sflag:s23], $0x1  }
0xa9: {  	[sflag:s23] =	ssyncset.done $0x0  }
0xaa: {  	s25 =	simm.s32 $0x1B8E;
	s24 =	sld [smem:$0x3FFE];
	[sflag:s23] =	ssyncadd.s32 $0xFFFFFFFF  }
0xab: {  	s26 =	simm.s32 $execute0_lowered;
	[smem:$0x3FD2] =	sst s25  }
0xac: {  	s7 =	sshll.u32 s26, $0x1;
	_ =	strace $0x80000046;
	[dreg:$0x1] =	wrdreg $0xFFFFFFFF  }
0xad: {  	s28 =	simm.s32 $_size_execute0_lowered;
	s5 =	sadd.s32 s5, s7;
	[dreg:$0x0] =	wrdreg $0x0  }
0xae: {  	s7 =	sshll.u32 s28, $0x1;
	[dreg:$0x2] =	wrdreg s5  }
0xaf: {  	[dreg:$0x3] =	wrdreg s7  }
0xb0: {  	[dreg:$0x4] =	wrdreg $0xC0  }
0xb1: {  	_ =	task [dreg:s9], $0x5FFFF  }
0xb2: {  	[dreg:$0x1] =	wrdreg $0xFFFFFFFF  }
0xb3: {  	[dreg:$0x0] =	wrdreg $0x60  }
0xb4: {  	[dreg:$0x2] =	wrdreg s24  }
0xb5: {  	[dreg:$0x3] =	wrdreg s15  }
0xb6: {  	[dreg:$0x4] =	wrdreg s16  }
0xb7: {  	[dreg:$0x5] =	wrdreg s17  }
0xb8: {  	[dreg:$0x6] =	wrdreg $0x9  }
0xb9: {  	_ =	task.clear_ibuf [dreg:s9], $0x7FFFF;
	_ =	strace $0x90000046  }
0xba: {  	s29 =	simm.s32 $0x9;
	_ =	strace $0x80000048  }
0xbb: {  	_ =	swait.ge [sflag:s29], $0x1  }
0xbc: {  	[sflag:s29] =	ssyncadd.s32 $0xFFFFFFFF  }
0xbd: {  	_ =	strace $0x90000048  }
0xbe: {  	_ =	sfence  }
0xbf: {  	s30 =	sld [smem:$0x0];
	_ =	sdelay $0x2  }
0xc0: {  	s31 =	sshll.u32 s1, $0xD;
	s1 =	sshrl.u32 s1, $0x2  }
0xc1: {  	s3 =	sand.u32 $0x4000, s31;
	s1 =	sadd.s32 s1, s30  }
0xc2: {  	s0 =	sor.u32 s3, s0;
	s1 =	sshll.u32 s1, $0x11  }
0xc3: {  	s0 =	sor.u32 s1, s0  }
0xc4: {  	s0 =	sadd.s32 $0x8F2B, s0  }
0xc5: {  	[sflag:s0] =	ssyncadd.remote.s32 $0x1  }
0xc6: {  	_ =	sfence.sel $0xFFFF  }
0xc7: {  	[dreg:$0x0] =	wrdreg $0xFFFFFFFF;
	(pc) =	sbr.abs _section_cstart, $3  }
0xc8: {  	[dreg:$0x1] =	wrdreg $0xFFFFFFFF  }
0xc9: {  	_ =	task.clear_ibuf [dreg:s9], $0x2FFFF;
	_ =	strace $0x9FFFFFFF  }
0xca: {  	(tm) =	ssettm $0x7FFFFFFF  }
0xcb: {  	_ =	shalt  }
tec
execute0_lowered:
.L_overlay_start_1:
0x0: {  	(tag) =	ssettag $0x1  }
0x1: {  	s3 =	rddreg [dreg:$0x0]  }
0x2: {  	s8 =	rddreg [dreg:$0x1]  }
0x3: {  	s9 =	rddreg [dreg:$0x2]  }
0x4: {  	s10 =	rddreg [dreg:$0x3]  }
0x5: {  	s0 =	rddreg [dreg:$0x4]  }
0x6: {  	s2 =	simm.s32 $0x0;
	s4 =	srdreg.scid;
	s1 =	stileid.u32  }
0x7: {  	s14 =	simm.s32 $0x600;
	s15 =	simm.s32 $0x800;
	s16 =	simm.s32 $0xA00  }
0x8: {  	s17 =	simm.s32 $0x1;
	s18 =	simm.s32 $0xA80;
	s19 =	simm.s32 $0xC80  }
0x9: {  	s20 =	simm.s32 $0x0;
	[smem:$0x7FF] =	sst s2;
	s4 =	sand.u32 $0x1, s4  }
0xa: {  	s5 =	sadd.s32 $0xC00, s3;
	s6 =	sshll.u32 s1, $0x7;
	s11 =	sadd.s32 $0x1C00, s3  }
0xb: {  	s3 =	sadd.s32 $0x2C00, s3;
	s7 =	sshll.u32 s4, $0x6;
	s4 =	ssub.s32 $0x2, s4  }
0xc: {  	_ =	strace $0x80000047;
	s12 =	sor.u32 s7, s6;
	s31 =	sshrl.u32 s4, $0x1  }
0xd: {  	s7 =	sor.u32 $0x800, s12;
	s13 =	ssub.s32 s4, s31;
	s4 =	sadd.s32 s5, s12  }
0xe: {  	s6 =	sadd.s32 s11, s12;
	s8 =	sadd.s32 s8, s12;
	s9 =	sadd.s32 s9, s12  }
0xf: {  	s10 =	sadd.s32 s10, s12;
	s12 =	simm.s32 $0x200;
	s5 =	sadd.s32 s5, s7  }
0x10: {  	s7 =	sadd.s32 s11, s7;
	s11 =	smax.u32 s13, $0x1;
	s13 =	simm.s32 $0x400  }
.LBB2_1:
0x11: {  	[tilespmem:s2], [sflag:$0x1] =	stream.linear.gather [hbm4b:s4+s2], $0x200, $0x38;
	[tilespmem:$0xE80] =	vst v63  }
0x12: {  	_ = 	snop  }
0x13: {  	[tilespmem:s12], [sflag:$0x1] =	stream.linear.gather [hbm4b:s5+s2], $0x200, $0x38;
	[tilespmem:$0xE80] =	vst v63  }
0x14: {  	_ = 	snop  }
0x15: {  	[tilespmem:s13], [sflag:$0x1] =	stream.linear.gather [hbm4b:s6+s2], $0x200, $0x38;
	[tilespmem:$0xE80] =	vst v63  }
0x16: {  	_ = 	snop  }
0x17: {  	[tilespmem:s14], [sflag:$0x1] =	stream.linear.gather [hbm4b:s7+s2], $0x200, $0x38;
	[tilespmem:$0xE80] =	vst v63  }
0x18: {  	_ = 	snop  }
0x19: {  	[tilespmem:s15], [sflag:$0x1] =	stream.linear.gather [hbm4b:s8+s2], $0x200, $0x38;
	[tilespmem:$0xE80] =	vst v63  }
0x1a: {  	_ = 	snop  }
0x1b: {  	[tilespmem:s16], [sflag:$0x1] =	stream.linear.gather [hbm4b:s3+s2], $0x80, $0x38;
	[tilespmem:$0xE80] =	vst v63  }
0x1c: {  	_ =	swait.ge [sflag:s17], $0x200  }
0x1d: {  	[sflag:s17] =	ssyncset.done $0x0  }
0x1e: {  	[sflag:s17] =	ssyncadd.s32 $0xFFFFFE00  }
0x1f: {  	_ =	swait.ge [sflag:s17], $0x200  }
0x20: {  	[sflag:s17] =	ssyncset.done $0x0  }
0x21: {  	[sflag:s17] =	ssyncadd.s32 $0xFFFFFE00  }
0x22: {  	_ =	swait.ge [sflag:s17], $0x200  }
0x23: {  	[sflag:s17] =	ssyncset.done $0x0  }
0x24: {  	[sflag:s17] =	ssyncadd.s32 $0xFFFFFE00  }
0x25: {  	_ =	swait.ge [sflag:s17], $0x200  }
0x26: {  	[sflag:s17] =	ssyncset.done $0x0  }
0x27: {  	[sflag:s17] =	ssyncadd.s32 $0xFFFFFE00  }
0x28: {  	_ =	swait.ge [sflag:s17], $0x200  }
0x29: {  	[sflag:s17] =	ssyncset.done $0x0  }
0x2a: {  	[sflag:s17] =	ssyncadd.s32 $0xFFFFFE00  }
0x2b: {  	_ =	swait.ge [sflag:s17], $0x80  }
0x2c: {  	[sflag:s17] =	ssyncset.done $0x0  }
0x2d: {  	[sflag:s17] =	ssyncadd.s32 $0xFFFFFF80  }
0x2e: {  	v0 =	vld [tilespmem:$0xA10]  }
0x2f: {  	s21 =	simm.s32 $0x820;
	v1 =	vld [tilespmem:$0xA00]  }
0x30: {  	s25 =	simm.s32 $0x20;
	v2 =	vld [tilespmem:s21+$0x10]  }
0x31: {  	s24 =	simm.s32 $0x220;
	v3 =	vld [tilespmem:s25+$0x10]  }
0x32: {  	s23 =	simm.s32 $0x420;
	v4 =	vld [tilespmem:s24+$0x10]  }
0x33: {  	s22 =	simm.s32 $0x620;
	v6 =	vld [tilespmem:s23+$0x10]  }
0x34: {  	v7 =	vld [tilespmem:s22+$0x10]  }
0x35: {  	v0 =	vand.u32 $0x7FFFFFFF, v0  }
0x36: {  	v1 =	vmul.f32 $5.500000000e+00, v1;
	v5 =	vmul.f32 $9.499999880e-01, v0  }
0x37: {  	v2 =	vshll.u32 v2, $0x1;
	v3 =	vand.u32 $0x7FFFFFFF, v3;
	v4 =	vand.u32 $0x7FFFFFFF, v4  }
0x38: {  	v3 =	vmul.f32 $5.500000000e+00, v3;
	v0 =	vadd.f32 $4.500000000e+00, v1;
	v1 =	vadd.f32 $1.049999950e+00, v5  }
0x39: {  	v2 =	vand.u32 $0xE, v2;
	v5 =	vand.u32 $0x7FFFFFFF, v6;
	v6 =	vand.u32 $0x7FFFFFFF, v7;
	v7 =	vld [tilespmem:s24+$0xFFFFFFE0]  }
0x3a: {  	v4 =	vmul.f32 $5.500000000e+00, v4;
	v5 =	vmul.f32 $5.500000000e+00, v5;
	v1 =	vadd.f32 v1, v0  }
0x3b: {  	v3 =	vadd.f32 $4.500000000e+00, v3;
	v8 =	vperm.xlane v0, v2;
	v6 =	vmul.f32 $5.500000000e+00, v6  }
0x3c: {  	v5 =	vadd.f32 $4.500000000e+00, v5;
	v9 =	vperm.xlane v1, v2;
	v2 =	vor.u32 $0x1, v2  }
0x3d: {  	v4 =	vadd.f32 $4.500000000e+00, v4;
	v6 =	vadd.f32 $4.500000000e+00, v6;
	v10 =	vperm.xlane v0, v2  }
0x3e: {  	v2 =	vperm.xlane v1, v2;
	v7 =	vand.u32 $0x7FFFFFFF, v7;
	v13 =	vadd.f32 v5, v3  }
0x3f: {  	v15 =	vld [tilespmem:s25+$0xFFFFFFE0];
	v14 =	vadd.f32 v6, v4;
	v5 =	vmul.f32 v6, v5;
	v6 =	vmin.f32 v3, v8  }
0x40: {  	v17 =	vld [tilespmem:s22+$0xFFFFFFE0];
	v3 =	vmax.f32 v3, v8;
	v11 =	vsub.f32 v9, v8;
	v7 =	vmul.f32 $5.500000000e+00, v7  }
0x41: {  	v21 =	vld [tilespmem:s25+$0xFFFFFFF0];
	v16 =	vsub.f32 v2, v10;
	v18 =	vmax.f32 v13, v9;
	v19 =	vmax.f32 v14, v2  }
0x42: {  	v12 =	vld [tilespmem:s23+$0xFFFFFFE0];
	v20 =	vmin.f32 v4, v10;
	v9 =	vmin.f32 v13, v9;
	v2 =	vmin.f32 v14, v2  }
0x43: {  	v4 =	vmax.f32 v4, v10;
	v6 =	vsub.f32 v18, v6;
	v8 =	vsub.f32 v19, v20  }
0x44: {  	v3 =	vsub.f32 v9, v3;
	v2 =	vsub.f32 v2, v4  }
0x45: {  	v9 =	vand.u32 $0x7FFFFFFF, v15;
	v15 =	vand.u32 $0x7FFFFFFF, v17;
	v7 =	vadd.f32 $4.500000000e+00, v7  }
0x46: {  	v10 =	vmul.f32 v16, v11;
	v16 =	vand.u32 $0x7FFFFFFF, v21;
	v9 =	vmul.f32 $5.500000000e+00, v9  }
0x47: {  	v17 =	vld [tilespmem:s23+$0x0];
	v15 =	vmul.f32 $5.500000000e+00, v15;
	v4 =	vmul.f32 v8, v6;
	v8 =	vand.u32 $0x7FFFFFFF, v12  }
0x48: {  	v11 =	vld [tilespmem:s23+$0xFFFFFFF0];
	v12 =	vmax.f32 v3, $9.999999930e-09;
	v13 =	vmax.f32 v2, $9.999999930e-09;
	vm0 =	vle.f32 v3, $0.0e+00  }
0x49: {  	v6 =	vld [tilespmem:s24+$0xFFFFFFF0];
	vm1 =	vle.f32 v2, $0.0e+00;
	v16 =	vmul.f32 $5.500000000e+00, v16;
	v12 =	vmul.f32 v13, v12  }
0x4a: {  	v3 =	vld [tilespmem:s22+$0xFFFFFFF0];
	v13 =	vmul.f32 $9.999999930e-09, v5;
	vm0 =	vmor vm0, vm1;
	v9 =	vadd.f32 $4.500000000e+00, v9  }
0x4b: {  	v8 =	vmul.f32 $5.500000000e+00, v8;
	v15 =	vadd.f32 $4.500000000e+00, v15;
	v14 =	vsub.f32 v4, v5  }
0x4c: {  	v4 =	vmul.f32 $9.999999930e-09, v4;
	v16 =	vadd.f32 $4.500000000e+00, v16;
	v2 =	vsub.f32 v5, v12  }
0x4d: {  	v17 =	vand.u32 $0x7FFFFFFF, v17;
	v8 =	vadd.f32 $4.500000000e+00, v8;
	v10 =	vsub.f32 v14, v10  }
0x4e: {  	v11 =	vand.u32 $0x7FFFFFFF, v11;
	v17 =	vmul.f32 $5.500000000e+00, v17;
	v6 =	vand.u32 $0x7FFFFFFF, v6  }
0x4f: {  	v2 =	vmax.f32 v2, v13;
	v13 =	vadd.s32 $0xC0CAFB0D, v5;
	v3 =	vand.u32 $0x7FFFFFFF, v3  }
0x50: {  	v11 =	vmul.f32 $5.500000000e+00, v11;
	v4 =	vmax.f32 v10, v4;
	v2 =	vsel vm0, v5, v2  }
0x51: {  	v18 =	vand.u32 $0xFF800000, v13;
	v6 =	vmul.f32 $5.500000000e+00, v6;
	v26 =	vmul.f32 $5.500000000e+00, v3  }
0x52: {  	v4 =	vsel vm0, v4, v12;
	v20 =	vadd.s32 $0xC0CAFB0D, v2;
	v5 =	vsub.s32 v5, v18  }
0x53: {  	v14 =	vadd.s32 $0xC0CAFB0D, v4;
	v18 =	vand.u32 $0xFF800000, v20;
	v5 =	vadd.f32 $-1.000000000e+00, v5  }
0x54: {  	v13 =	vshra.s32 v13, $0x17;
	v19 =	vand.u32 $0xFF800000, v14;
	v2 =	vsub.s32 v2, v18  }
0x55: {  	v4 =	vsub.s32 v4, v19;
	v2 =	vadd.f32 $-1.000000000e+00, v2;
	v21 =	vmul.f32 $1.393126250e-01, v5  }
0x56: {  	v17 =	vadd.f32 $4.500000000e+00, v17;
	v13 =	vcvt.s32.f32 v13;
	v4 =	vadd.f32 $-1.000000000e+00, v4  }
0x57: {  	v10 =	vld [tilespmem:s25+$0x0];
	v11 =	vadd.f32 $4.500000000e+00, v11;
	v23 =	vmul.f32 $1.393126250e-01, v2;
	v21 =	vsub.f32 $2.229499520e-01, v21  }
0x58: {  	v12 =	vld [tilespmem:s24+$0x0];
	v20 =	vshra.s32 v20, $0x17;
	v6 =	vadd.f32 $4.500000000e+00, v6;
	v22 =	vmul.f32 $1.393126250e-01, v4  }
0x59: {  	v14 =	vshra.s32 v14, $0x17;
	v23 =	vsub.f32 $2.229499520e-01, v23;
	v21 =	vmul.f32 v21, v5  }
0x5a: {  	v13 =	vmul.f32 $6.931471820e-01, v13;
	v20 =	vcvt.s32.f32 v20;
	v22 =	vsub.f32 $2.229499520e-01, v22  }
0x5b: {  	v18 =	vld [tilespmem:s22+$0x0];
	v27 =	vadd.f32 v11, v16;
	v23 =	vmul.f32 v23, v2;
	v21 =	vadd.f32 $-2.556477190e-01, v21  }
0x5c: {  	v19 =	vld [tilespmem:s21+$0xFFFFFFE0];
	v14 =	vcvt.s32.f32 v14;
	v10 =	vand.u32 $0x7FFFFFFF, v10;
	v22 =	vmul.f32 v22, v4  }
0x5d: {  	v12 =	vand.u32 $0x7FFFFFFF, v12;
	v3 =	vadd.f32 $-2.556477190e-01, v23;
	v21 =	vmul.f32 v21, v5  }
0x5e: {  	v10 =	vmul.f32 $5.500000000e+00, v10;
	v14 =	vmul.f32 $6.931471820e-01, v14;
	v22 =	vadd.f32 $-2.556477190e-01, v22  }
0x5f: {  	v12 =	vmul.f32 $5.500000000e+00, v12;
	v3 =	vmul.f32 v3, v2;
	v21 =	vadd.f32 $3.322894280e-01, v21  }
0x60: {  	v24 =	vld [tilespmem:s21+$0xFFFFFFF0];
	v18 =	vand.u32 $0x7FFFFFFF, v18;
	v10 =	vadd.f32 $4.500000000e+00, v10;
	v22 =	vmul.f32 v22, v4  }
0x61: {  	v25 =	vld [tilespmem:s21+$0x0];
	v19 =	vshll.u32 v19, $0x1;
	v3 =	vadd.f32 $3.322894280e-01, v3;
	v21 =	vmul.f32 v21, v5  }
0x62: {  	v18 =	vmul.f32 $5.500000000e+00, v18;
	v12 =	vadd.f32 $4.500000000e+00, v12;
	v22 =	vadd.f32 $3.322894280e-01, v22  }
0x63: {  	v19 =	vand.u32 $0xE, v19;
	v3 =	vmul.f32 v3, v2;
	v21 =	vadd.f32 $-4.997861680e-01, v21  }
0x64: {  	v30 =	vadd.f32 v17, v10;
	v18 =	vadd.f32 $4.500000000e+00, v18;
	v22 =	vmul.f32 v22, v4  }
0x65: {  	v33 =	vperm.xlane v0, v19;
	v3 =	vadd.f32 $-4.997861680e-01, v3;
	v21 =	vmul.f32 v21, v5  }
0x66: {  	v23 =	vshll.u32 v24, $0x1;
	v24 =	vshll.u32 v25, $0x1;
	v22 =	vadd.f32 $-4.997861680e-01, v22  }
0x67: {  	v25 =	vadd.f32 v8, v9;
	v3 =	vmul.f32 v3, v2;
	v21 =	vadd.f32 $1.000012990e+00, v21  }
0x68: {  	v8 =	vmul.f32 v15, v8;
	v32 =	vadd.f32 v18, v12;
	v22 =	vmul.f32 v22, v4  }
0x69: {  	v40 =	vmin.f32 v9, v33;
	v3 =	vadd.f32 $1.000012990e+00, v3;
	v21 =	vmul.f32 v21, v5  }
0x6a: {  	v5 =	vmul.f32 $6.931471820e-01, v20;
	v20 =	vand.u32 $0xE, v23;
	v22 =	vadd.f32 $1.000012990e+00, v22  }
0x6b: {  	v9 =	vmax.f32 v9, v33;
	v17 =	vmul.f32 v18, v17;
	v35 =	vperm.xlane v0, v20  }
0x6c: {  	v22 =	vmul.f32 v22, v4;
	v4 =	vmul.f32 v3, v2;
	v2 =	vadd.f32 v21, v13  }
0x6d: {  	v13 =	vand.u32 $0xE, v24;
	v21 =	vadd.f32 $4.500000000e+00, v26;
	v26 =	vadd.f32 v15, v7  }
0x6e: {  	v43 =	vmin.f32 v16, v35;
	v16 =	vmax.f32 v16, v35;
	v23 =	vor.u32 $0x1, v13  }
0x6f: {  	v37 =	vperm.xlane v0, v13;
	v13 =	vperm.xlane v1, v13;
	v3 =	vadd.f32 v22, v14  }
0x70: {  	v14 =	vor.u32 $0x1, v19;
	v31 =	vperm.xlane v0, v23;
	v23 =	vperm.xlane v1, v23  }
0x71: {  	v22 =	vor.u32 $0x1, v20;
	v19 =	vperm.xlane v1, v19;
	v20 =	vperm.xlane v1, v20  }
0x72: {  	v29 =	vadd.f32 v21, v6;
	v11 =	vmul.f32 v21, v11;
	v24 =	vperm.xlane v0, v14  }
0x73: {  	v4 =	vadd.f32 v4, v5;
	v14 =	vperm.xlane v1, v14;
	v28 =	vperm.xlane v0, v22  }
0x74: {  	s26 =	simm.s32 $0x860;
	v22 =	vperm.xlane v1, v22;
	v45 =	vmax.f32 v30, v13;
	v46 =	vmin.f32 v10, v37  }
0x75: {  	v55 =	vld [tilespmem:s26+$0xFFFFFFF0];
	v30 =	vmin.f32 v30, v13;
	v10 =	vmax.f32 v10, v37;
	v13 =	vsub.f32 v13, v37  }
0x76: {  	v38 =	vmax.f32 v32, v23;
	v39 =	vmax.f32 v25, v19;
	v42 =	vmax.f32 v27, v20  }
0x77: {  	v61 =	vmin.f32 v12, v31;
	v25 =	vmin.f32 v25, v19;
	v63 =	vsub.f32 v45, v46  }
0x78: {  	v27 =	vmin.f32 v27, v20;
	v32 =	vmin.f32 v32, v23;
	v10 =	vsub.f32 v30, v10  }
0x79: {  	v12 =	vmax.f32 v12, v31;
	v19 =	vsub.f32 v19, v33;
	v20 =	vsub.f32 v20, v35  }
0x7a: {  	v33 =	vshll.u32 v55, $0x1;
	v34 =	vmax.f32 v26, v14;
	v36 =	vmax.f32 v29, v22  }
0x7b: {  	v41 =	vmin.f32 v7, v24;
	v44 =	vmin.f32 v6, v28;
	v39 =	vsub.f32 v39, v40  }
0x7c: {  	v62 =	vsub.f32 v42, v43;
	v26 =	vmin.f32 v26, v14;
	v38 =	vsub.f32 v38, v61  }
0x7d: {  	v29 =	vmin.f32 v29, v22;
	v9 =	vsub.f32 v25, v9;
	v16 =	vsub.f32 v27, v16  }
0x7e: {  	v7 =	vmax.f32 v7, v24;
	v12 =	vsub.f32 v32, v12;
	v14 =	vsub.f32 v14, v24  }
0x7f: {  	v6 =	vmax.f32 v6, v28;
	v21 =	vsub.f32 v22, v28;
	v22 =	vsub.f32 v23, v31  }
0x80: {  	v59 =	vld [tilespmem:s26+$0x0];
	v33 =	vand.u32 $0xE, v33;
	v34 =	vsub.f32 v34, v41;
	v36 =	vsub.f32 v36, v44  }
0x81: {  	v7 =	vsub.f32 v26, v7;
	v6 =	vsub.f32 v29, v6;
	v28 =	vmax.f32 v10, $9.999999930e-09  }
0x82: {  	vm4 =	vle.f32 v10, $0.0e+00;
	v15 =	vmul.f32 v38, v63;
	v18 =	vmax.f32 v9, $9.999999930e-09  }
0x83: {  	v24 =	vmax.f32 v16, $9.999999930e-09;
	vm13 =	vle.f32 v9, $0.0e+00;
	v9 =	vmul.f32 v14, v19  }
0x84: {  	v31 =	vmax.f32 v12, $9.999999930e-09;
	v20 =	vmul.f32 v21, v20;
	v13 =	vmul.f32 v22, v13  }
0x85: {  	vm2 =	vle.f32 v16, $0.0e+00;
	vm5 =	vle.f32 v12, $0.0e+00;
	v38 =	vshll.u32 v59, $0x1  }
0x86: {  	v25 =	vmul.f32 v34, v39;
	v26 =	vmul.f32 v36, v62;
	v23 =	vmax.f32 v7, $9.999999930e-09  }
0x87: {  	v27 =	vmax.f32 v6, $9.999999930e-09;
	v14 =	vmul.f32 v31, v28;
	vm14 =	vle.f32 v7, $0.0e+00  }
0x88: {  	v7 =	vmul.f32 $9.999999930e-09, v11;
	vm3 =	vle.f32 v6, $0.0e+00;
	vm5 =	vmor vm4, vm5  }
0x89: {  	v18 =	vmul.f32 v23, v18;
	v23 =	vmul.f32 v27, v24;
	v24 =	vsub.f32 v15, v17  }
0x8a: {  	v15 =	vmul.f32 $9.999999930e-09, v15;
	v27 =	vmul.f32 $9.999999930e-09, v17;
	vm0 =	vmor vm13, vm14  }
0x8b: {  	v29 =	vsub.f32 v25, v8;
	v30 =	vsub.f32 v26, v11;
	v21 =	vmul.f32 $9.999999930e-09, v25  }
0x8c: {  	v25 =	vmul.f32 $9.999999930e-09, v26;
	v26 =	vsub.f32 v17, v14;
	v19 =	vsub.f32 v8, v18  }
0x8d: {  	v22 =	vsub.f32 v11, v23;
	v13 =	vsub.f32 v24, v13;
	v24 =	vmul.f32 $9.999999930e-09, v8  }
0x8e: {  	vm15 =	vmor vm2, vm3;
	v9 =	vsub.f32 v29, v9;
	v20 =	vsub.f32 v30, v20  }
0x8f: {  	v10 =	vmax.f32 v19, v24;
	v7 =	vmax.f32 v22, v7;
	v12 =	vmax.f32 v13, v15  }
0x90: {  	v13 =	vmax.f32 v26, v27;
	v6 =	vmax.f32 v9, v21;
	v9 =	vmax.f32 v20, v25  }
0x91: {  	v10 =	vsel vm0, v8, v10;
	v7 =	vsel vm15, v11, v7;
	v12 =	vsel vm5, v12, v14  }
0x92: {  	v13 =	vsel vm5, v17, v13;
	v20 =	vadd.s32 $0xC0CAFB0D, v8;
	v21 =	vadd.s32 $0xC0CAFB0D, v11  }
0x93: {  	v25 =	vadd.s32 $0xC0CAFB0D, v17;
	v6 =	vsel vm0, v6, v18;
	v9 =	vsel vm15, v9, v23  }
0x94: {  	v16 =	vadd.s32 $0xC0CAFB0D, v10;
	v18 =	vadd.s32 $0xC0CAFB0D, v7;
	v19 =	vadd.s32 $0xC0CAFB0D, v12  }
0x95: {  	v22 =	vadd.s32 $0xC0CAFB0D, v13;
	v29 =	vand.u32 $0xFF800000, v20;
	v30 =	vand.u32 $0xFF800000, v21  }
0x96: {  	v20 =	vshra.s32 v20, $0x17;
	v21 =	vshra.s32 v21, $0x17;
	v14 =	vadd.s32 $0xC0CAFB0D, v6  }
0x97: {  	v15 =	vadd.s32 $0xC0CAFB0D, v9;
	v26 =	vand.u32 $0xFF800000, v16;
	v27 =	vand.u32 $0xFF800000, v18  }
0x98: {  	v28 =	vand.u32 $0xFF800000, v19;
	v31 =	vand.u32 $0xFF800000, v22;
	v8 =	vsub.s32 v8, v29  }
0x99: {  	v11 =	vsub.s32 v11, v30;
	v19 =	vshra.s32 v19, $0x17;
	v16 =	vshra.s32 v16, $0x17  }
0x9a: {  	v18 =	vshra.s32 v18, $0x17;
	v22 =	vshra.s32 v22, $0x17;
	v20 =	vcvt.s32.f32 v20  }
0x9b: {  	v21 =	vcvt.s32.f32 v21;
	v23 =	vand.u32 $0xFF800000, v14;
	v24 =	vand.u32 $0xFF800000, v15  }
0x9c: {  	v10 =	vsub.s32 v10, v26;
	v7 =	vsub.s32 v7, v27;
	v12 =	vsub.s32 v12, v28  }
0x9d: {  	v13 =	vsub.s32 v13, v31;
	v14 =	vshra.s32 v14, $0x17;
	v8 =	vadd.f32 $-1.000000000e+00, v8  }
0x9e: {  	v11 =	vadd.f32 $-1.000000000e+00, v11;
	v19 =	vcvt.s32.f32 v19;
	v16 =	vcvt.s32.f32 v16  }
0x9f: {  	v15 =	vshra.s32 v15, $0x17;
	v18 =	vcvt.s32.f32 v18;
	v22 =	vcvt.s32.f32 v22  }
0xa0: {  	v6 =	vsub.s32 v6, v23;
	v9 =	vsub.s32 v9, v24;
	v10 =	vadd.f32 $-1.000000000e+00, v10  }
0xa1: {  	v23 =	vand.u32 $0xFF800000, v25;
	v12 =	vadd.f32 $-1.000000000e+00, v12;
	v7 =	vadd.f32 $-1.000000000e+00, v7  }
0xa2: {  	v13 =	vadd.f32 $-1.000000000e+00, v13;
	v14 =	vcvt.s32.f32 v14;
	v15 =	vcvt.s32.f32 v15  }
0xa3: {  	v25 =	vshra.s32 v25, $0x17;
	v30 =	vmul.f32 $1.393126250e-01, v8;
	v31 =	vmul.f32 $1.393126250e-01, v11  }
0xa4: {  	v6 =	vadd.f32 $-1.000000000e+00, v6;
	v25 =	vcvt.s32.f32 v25;
	v26 =	vmul.f32 $1.393126250e-01, v10  }
0xa5: {  	v9 =	vadd.f32 $-1.000000000e+00, v9;
	v27 =	vmul.f32 $1.393126250e-01, v12;
	v28 =	vmul.f32 $1.393126250e-01, v7  }
0xa6: {  	v17 =	vsub.s32 v17, v23;
	v29 =	vmul.f32 $1.393126250e-01, v13;
	v5 =	vmul.f32 $6.931471820e-01, v14  }
0xa7: {  	v17 =	vadd.f32 $-1.000000000e+00, v17;
	v14 =	vmul.f32 $6.931471820e-01, v21;
	v23 =	vmul.f32 $1.393126250e-01, v6  }
0xa8: {  	v24 =	vmul.f32 $1.393126250e-01, v9;
	v30 =	vsub.f32 $2.229499520e-01, v30;
	v31 =	vsub.f32 $2.229499520e-01, v31  }
0xa9: {  	s23 =	simm.s32 $0x460;
	v26 =	vsub.f32 $2.229499520e-01, v26;
	v44 =	vmul.f32 $1.393126250e-01, v17;
	v27 =	vsub.f32 $2.229499520e-01, v27  }
0xaa: {  	v21 =	vld [tilespmem:s23+$0xFFFFFFE0];
	v28 =	vsub.f32 $2.229499520e-01, v28;
	v29 =	vsub.f32 $2.229499520e-01, v29;
	v30 =	vmul.f32 v30, v8  }
0xab: {  	v23 =	vsub.f32 $2.229499520e-01, v23;
	v31 =	vmul.f32 v31, v11;
	v26 =	vmul.f32 v26, v10  }
0xac: {  	v24 =	vsub.f32 $2.229499520e-01, v24;
	v27 =	vmul.f32 v27, v12;
	v28 =	vmul.f32 v28, v7  }
0xad: {  	v32 =	vsub.f32 $2.229499520e-01, v44;
	v29 =	vmul.f32 v29, v13;
	v23 =	vmul.f32 v23, v6  }
0xae: {  	v24 =	vmul.f32 v24, v9;
	v30 =	vadd.f32 $-2.556477190e-01, v30;
	v31 =	vadd.f32 $-2.556477190e-01, v31  }
0xaf: {  	v21 =	vand.u32 $0x7FFFFFFF, v21;
	v26 =	vadd.f32 $-2.556477190e-01, v26;
	v27 =	vadd.f32 $-2.556477190e-01, v27  }
0xb0: {  	v32 =	vmul.f32 v32, v17;
	v28 =	vadd.f32 $-2.556477190e-01, v28;
	v29 =	vadd.f32 $-2.556477190e-01, v29  }
0xb1: {  	v21 =	vmul.f32 $5.500000000e+00, v21;
	v23 =	vadd.f32 $-2.556477190e-01, v23;
	v30 =	vmul.f32 v30, v8  }
0xb2: {  	v24 =	vadd.f32 $-2.556477190e-01, v24;
	v31 =	vmul.f32 v31, v11;
	v26 =	vmul.f32 v26, v10  }
0xb3: {  	v27 =	vmul.f32 v27, v12;
	v32 =	vadd.f32 $-2.556477190e-01, v32;
	v28 =	vmul.f32 v28, v7  }
0xb4: {  	v29 =	vmul.f32 v29, v13;
	v21 =	vadd.f32 $4.500000000e+00, v21;
	v23 =	vmul.f32 v23, v6  }
0xb5: {  	v24 =	vmul.f32 v24, v9;
	v30 =	vadd.f32 $3.322894280e-01, v30;
	v31 =	vadd.f32 $3.322894280e-01, v31  }
0xb6: {  	v26 =	vadd.f32 $3.322894280e-01, v26;
	v32 =	vmul.f32 v32, v17;
	v27 =	vadd.f32 $3.322894280e-01, v27  }
0xb7: {  	v28 =	vadd.f32 $3.322894280e-01, v28;
	v29 =	vadd.f32 $3.322894280e-01, v29;
	v30 =	vmul.f32 v30, v8  }
0xb8: {  	v23 =	vadd.f32 $3.322894280e-01, v23;
	v31 =	vmul.f32 v31, v11;
	v26 =	vmul.f32 v26, v10  }
0xb9: {  	v24 =	vadd.f32 $3.322894280e-01, v24;
	v27 =	vmul.f32 v27, v12;
	v28 =	vmul.f32 v28, v7  }
0xba: {  	v32 =	vadd.f32 $3.322894280e-01, v32;
	v29 =	vmul.f32 v29, v13;
	v23 =	vmul.f32 v23, v6  }
0xbb: {  	v24 =	vmul.f32 v24, v9;
	v30 =	vadd.f32 $-4.997861680e-01, v30;
	v31 =	vadd.f32 $-4.997861680e-01, v31  }
0xbc: {  	v26 =	vadd.f32 $-4.997861680e-01, v26;
	v32 =	vmul.f32 v32, v17;
	v27 =	vadd.f32 $-4.997861680e-01, v27  }
0xbd: {  	v28 =	vadd.f32 $-4.997861680e-01, v28;
	v29 =	vadd.f32 $-4.997861680e-01, v29;
	v30 =	vmul.f32 v30, v8  }
0xbe: {  	v23 =	vadd.f32 $-4.997861680e-01, v23;
	v31 =	vmul.f32 v31, v11;
	v26 =	vmul.f32 v26, v10  }
0xbf: {  	v24 =	vadd.f32 $-4.997861680e-01, v24;
	v27 =	vmul.f32 v27, v12;
	v28 =	vmul.f32 v28, v7  }
0xc0: {  	v32 =	vadd.f32 $-4.997861680e-01, v32;
	v29 =	vmul.f32 v29, v13;
	v23 =	vmul.f32 v23, v6  }
0xc1: {  	v54 =	vld [tilespmem:s26+$0xFFFFFFE0];
	v24 =	vmul.f32 v24, v9;
	v26 =	vadd.f32 $1.000012990e+00, v26;
	v27 =	vadd.f32 $1.000012990e+00, v27  }
0xc2: {  	v32 =	vmul.f32 v32, v17;
	v28 =	vadd.f32 $1.000012990e+00, v28;
	v29 =	vadd.f32 $1.000012990e+00, v29  }
0xc3: {  	v23 =	vadd.f32 $1.000012990e+00, v23;
	v24 =	vadd.f32 $1.000012990e+00, v24;
	v26 =	vmul.f32 v26, v10  }
0xc4: {  	v27 =	vmul.f32 v27, v12;
	v28 =	vmul.f32 v28, v7;
	v7 =	vadd.f32 $1.000012990e+00, v32  }
0xc5: {  	v29 =	vmul.f32 v29, v13;
	v12 =	vsub.f32 v2, v4;
	v4 =	vmul.f32 $6.931471820e-01, v16  }
0xc6: {  	s21 =	simm.s32 $0x60;
	v13 =	vmul.f32 $6.931471820e-01, v25;
	v32 =	vshll.u32 v54, $0x1;
	v23 =	vmul.f32 v23, v6  }
0xc7: {  	s24 =	simm.s32 $0x660;
	v45 =	vld [tilespmem:s21+$0x10];
	v6 =	vadd.f32 $1.000012990e+00, v30;
	v24 =	vmul.f32 v24, v9;
	v9 =	vadd.f32 $1.000012990e+00, v31  }
0xc8: {  	v16 =	vld [tilespmem:s24+$0x10];
	v32 =	vand.u32 $0xE, v32;
	v7 =	vmul.f32 v7, v17;
	v4 =	vadd.f32 v26, v4  }
0xc9: {  	s22 =	simm.s32 $0x260;
	v30 =	vld [tilespmem:s26+$0x10];
	v61 =	vor.u32 $0x1, v32;
	v44 =	vperm.xlane v0, v32;
	v31 =	vmul.f32 v6, v8  }
0xca: {  	v17 =	vld [tilespmem:s22+$0x10];
	v6 =	vmul.f32 v9, v11;
	v11 =	vsub.f32 v2, v3;
	v3 =	vmul.f32 $6.931471820e-01, v15  }
0xcb: {  	v2 =	vmul.f32 $6.931471820e-01, v19;
	v15 =	vld [tilespmem:s23+$0x10];
	v9 =	vadd.f32 v23, v5;
	v5 =	vmul.f32 $6.931471820e-01, v18  }
0xcc: {  	v18 =	vmul.f32 $6.931471820e-01, v20;
	v19 =	vmul.f32 $6.931471820e-01, v22;
	v20 =	vld [tilespmem:s22+$0xFFFFFFE0];
	v10 =	vadd.f32 v24, v3  }
0xcd: {  	v32 =	vperm.xlane v1, v32;
	v8 =	vadd.f32 v27, v2;
	v3 =	vadd.f32 v28, v5  }
0xce: {  	v5 =	vadd.f32 v31, v18;
	v2 =	vadd.f32 v29, v19;
	v19 =	vand.u32 $0x7FFFFFFF, v45  }
0xcf: {  	v16 =	vand.u32 $0x7FFFFFFF, v16;
	v18 =	vshll.u32 v30, $0x1;
	v19 =	vmul.f32 $5.500000000e+00, v19  }
0xd0: {  	v16 =	vmul.f32 $5.500000000e+00, v16;
	v17 =	vand.u32 $0x7FFFFFFF, v17;
	v18 =	vand.u32 $0xE, v18  }
0xd1: {  	v15 =	vand.u32 $0x7FFFFFFF, v15;
	v17 =	vmul.f32 $5.500000000e+00, v17;
	v20 =	vand.u32 $0x7FFFFFFF, v20  }
0xd2: {  	v22 =	vperm.xlane v0, v18;
	v23 =	vperm.xlane v1, v18;
	v19 =	vadd.f32 $4.500000000e+00, v19  }
0xd3: {  	v18 =	vor.u32 $0x1, v18;
	v16 =	vadd.f32 $4.500000000e+00, v16;
	v15 =	vmul.f32 $5.500000000e+00, v15  }
0xd4: {  	v24 =	vperm.xlane v0, v18;
	v18 =	vperm.xlane v1, v18;
	v17 =	vadd.f32 $4.500000000e+00, v17  }
0xd5: {  	v20 =	vmul.f32 $5.500000000e+00, v20;
	v25 =	vsub.f32 v23, v22;
	v15 =	vadd.f32 $4.500000000e+00, v15  }
0xd6: {  	v49 =	vld [tilespmem:s22+$0xFFFFFFF0];
	v30 =	vsub.f32 v18, v24;
	v28 =	vadd.f32 v16, v17;
	v48 =	vmin.f32 v17, v24  }
0xd7: {  	v26 =	vld [tilespmem:s24+$0xFFFFFFE0];
	v17 =	vmax.f32 v17, v24;
	v27 =	vadd.f32 v15, v19;
	v15 =	vmul.f32 v16, v15  }
0xd8: {  	v16 =	vmin.f32 v19, v22;
	v19 =	vmax.f32 v19, v22;
	v24 =	vmul.f32 v30, v25  }
0xd9: {  	v47 =	vmax.f32 v28, v18;
	v18 =	vmin.f32 v28, v18;
	v46 =	vmax.f32 v27, v23  }
0xda: {  	v29 =	vld [tilespmem:s21+$0xFFFFFFE0];
	v22 =	vsub.f32 v47, v48;
	v23 =	vmin.f32 v27, v23;
	v17 =	vsub.f32 v18, v17  }
0xdb: {  	v31 =	vld [tilespmem:s21+$0xFFFFFFF0];
	v30 =	vand.u32 $0x7FFFFFFF, v49;
	v16 =	vsub.f32 v46, v16;
	v19 =	vsub.f32 v23, v19  }
0xdc: {  	v20 =	vadd.f32 $4.500000000e+00, v20;
	v30 =	vmul.f32 $5.500000000e+00, v30;
	v23 =	vand.u32 $0x7FFFFFFF, v26  }
0xdd: {  	v27 =	vmax.f32 v17, $9.999999930e-09;
	v16 =	vmul.f32 v22, v16;
	v26 =	vmax.f32 v19, $9.999999930e-09  }
0xde: {  	v30 =	vadd.f32 $4.500000000e+00, v30;
	vm7 =	vle.f32 v17, $0.0e+00;
	v26 =	vmul.f32 v27, v26  }
0xdf: {  	v23 =	vmul.f32 $5.500000000e+00, v23;
	v22 =	vand.u32 $0x7FFFFFFF, v29;
	v28 =	vsub.f32 v16, v15  }
0xe0: {  	v29 =	vand.u32 $0x7FFFFFFF, v31;
	v27 =	vmul.f32 $9.999999930e-09, v15;
	v17 =	vsub.f32 v15, v26  }
0xe1: {  	v25 =	vld [tilespmem:s24+$0xFFFFFFF0];
	vm6 =	vle.f32 v19, $0.0e+00;
	v16 =	vmul.f32 $9.999999930e-09, v16;
	v24 =	vsub.f32 v28, v24  }
0xe2: {  	vm0 =	vmor vm6, vm7;
	v17 =	vmax.f32 v17, v27;
	v27 =	vadd.s32 $0xC0CAFB0D, v15  }
0xe3: {  	v16 =	vmax.f32 v24, v16;
	v17 =	vsel vm0, v15, v17;
	v50 =	vand.u32 $0xFF800000, v27  }
0xe4: {  	v16 =	vsel vm0, v16, v26;
	v52 =	vadd.s32 $0xC0CAFB0D, v17;
	v15 =	vsub.s32 v15, v50  }
0xe5: {  	v18 =	vld [tilespmem:s23+$0xFFFFFFF0];
	v28 =	vadd.s32 $0xC0CAFB0D, v16;
	v53 =	vand.u32 $0xFF800000, v52;
	v15 =	vadd.f32 $-1.000000000e+00, v15  }
0xe6: {  	v25 =	vand.u32 $0x7FFFFFFF, v25;
	v51 =	vand.u32 $0xFF800000, v28;
	v17 =	vsub.s32 v17, v53  }
0xe7: {  	v16 =	vsub.s32 v16, v51;
	v17 =	vadd.f32 $-1.000000000e+00, v17;
	v56 =	vmul.f32 $1.393126250e-01, v15  }
0xe8: {  	v19 =	vld [tilespmem:s21+$0x0];
	v22 =	vmul.f32 $5.500000000e+00, v22;
	v29 =	vmul.f32 $5.500000000e+00, v29;
	v16 =	vadd.f32 $-1.000000000e+00, v16  }
0xe9: {  	v31 =	vld [tilespmem:s24+$0x0];
	v25 =	vmul.f32 $5.500000000e+00, v25;
	v58 =	vmul.f32 $1.393126250e-01, v17;
	v35 =	vsub.f32 $2.229499520e-01, v56  }
0xea: {  	v23 =	vadd.f32 $4.500000000e+00, v23;
	v18 =	vand.u32 $0x7FFFFFFF, v18;
	v57 =	vmul.f32 $1.393126250e-01, v16  }
0xeb: {  	v22 =	vadd.f32 $4.500000000e+00, v22;
	v37 =	vsub.f32 $2.229499520e-01, v58;
	v35 =	vmul.f32 v35, v15  }
0xec: {  	v18 =	vmul.f32 $5.500000000e+00, v18;
	v29 =	vadd.f32 $4.500000000e+00, v29;
	v36 =	vsub.f32 $2.229499520e-01, v57  }
0xed: {  	v25 =	vadd.f32 $4.500000000e+00, v25;
	v37 =	vmul.f32 v37, v17;
	v35 =	vadd.f32 $-2.556477190e-01, v35  }
0xee: {  	v19 =	vand.u32 $0x7FFFFFFF, v19;
	v31 =	vand.u32 $0x7FFFFFFF, v31;
	v36 =	vmul.f32 v36, v16  }
0xef: {  	v40 =	vadd.f32 v25, v30;
	v37 =	vadd.f32 $-2.556477190e-01, v37;
	v35 =	vmul.f32 v35, v15  }
0xf0: {  	v60 =	vmul.f32 $5.500000000e+00, v19;
	v31 =	vmul.f32 $5.500000000e+00, v31;
	v36 =	vadd.f32 $-2.556477190e-01, v36  }
0xf1: {  	v24 =	vld [tilespmem:s22+$0x0];
	v27 =	vshra.s32 v27, $0x17;
	v19 =	vmul.f32 v37, v17;
	v35 =	vadd.f32 $3.322894280e-01, v35  }
0xf2: {  	v26 =	vld [tilespmem:s23+$0x0];
	v27 =	vcvt.s32.f32 v27;
	v50 =	vmin.f32 v22, v44;
	v36 =	vmul.f32 v36, v16  }
0xf3: {  	v34 =	vshra.s32 v52, $0x17;
	v19 =	vadd.f32 $3.322894280e-01, v19;
	v35 =	vmul.f32 v35, v15  }
0xf4: {  	v27 =	vmul.f32 $6.931471820e-01, v27;
	v28 =	vshra.s32 v28, $0x17;
	v36 =	vadd.f32 $3.322894280e-01, v36  }
0xf5: {  	v34 =	vcvt.s32.f32 v34;
	v19 =	vmul.f32 v19, v17;
	v35 =	vadd.f32 $-4.997861680e-01, v35  }
0xf6: {  	v28 =	vcvt.s32.f32 v28;
	v24 =	vand.u32 $0x7FFFFFFF, v24;
	v36 =	vmul.f32 v36, v16  }
0xf7: {  	v26 =	vand.u32 $0x7FFFFFFF, v26;
	v19 =	vadd.f32 $-4.997861680e-01, v19;
	v35 =	vmul.f32 v35, v15  }
0xf8: {  	v24 =	vmul.f32 $5.500000000e+00, v24;
	v28 =	vmul.f32 $6.931471820e-01, v28;
	v36 =	vadd.f32 $-4.997861680e-01, v36  }
0xf9: {  	v56 =	vperm.xlane v0, v33;
	v19 =	vmul.f32 v19, v17;
	v35 =	vadd.f32 $1.000012990e+00, v35  }
0xfa: {  	v31 =	vadd.f32 $4.500000000e+00, v31;
	v26 =	vmul.f32 $5.500000000e+00, v26;
	v36 =	vmul.f32 v36, v16  }
0xfb: {  	v37 =	vadd.f32 v23, v20;
	v19 =	vadd.f32 $1.000012990e+00, v19;
	v15 =	vmul.f32 v35, v15  }
0xfc: {  	v53 =	vmin.f32 v29, v56;
	v35 =	vadd.f32 $4.500000000e+00, v60;
	v36 =	vadd.f32 $1.000012990e+00, v36  }
0xfd: {  	v17 =	vmul.f32 v19, v17;
	v19 =	vmul.f32 $6.931471820e-01, v34;
	v15 =	vadd.f32 v15, v27  }
0xfe: {  	v27 =	vadd.f32 $4.500000000e+00, v18;
	v34 =	vperm.xlane v1, v61;
	v16 =	vmul.f32 v36, v16  }
0xff: {  	v36 =	vadd.f32 v21, v22;
	v22 =	vmax.f32 v22, v44;
	v21 =	vmul.f32 v23, v21  }
0x100: {  	v17 =	vadd.f32 v17, v19;
	v63 =	vmax.f32 v37, v34;
	v37 =	vmin.f32 v37, v34  }
0x101: {  	v25 =	vmul.f32 v25, v27;
	v16 =	vadd.f32 v16, v28;
	v28 =	vand.u32 $0xE, v38  }
0x102: {  	v38 =	vadd.f32 v27, v29;
	v49 =	vmax.f32 v36, v32;
	v36 =	vmin.f32 v36, v32  }
0x103: {  	v29 =	vmax.f32 v29, v56;
	v18 =	vsub.f32 v15, v17;
	v17 =	vadd.f32 $4.500000000e+00, v24  }
0x104: {  	v24 =	vadd.f32 $4.500000000e+00, v26;
	v26 =	vperm.xlane v0, v61;
	v49 =	vsub.f32 v49, v50  }
0x105: {  	v48 =	vperm.xlane v0, v28;
	v22 =	vsub.f32 v36, v22;
	v19 =	vsub.f32 v15, v16  }
0x106: {  	v16 =	vor.u32 $0x1, v33;
	v15 =	vor.u32 $0x1, v28;
	v33 =	vperm.xlane v1, v33  }
0x107: {  	v28 =	vperm.xlane v1, v28;
	v39 =	vperm.xlane v0, v16;
	v41 =	vadd.f32 v24, v35  }
0x108: {  	v16 =	vperm.xlane v1, v16;
	v42 =	vperm.xlane v0, v15;
	v62 =	vadd.f32 v31, v17  }
0x109: {  	v15 =	vperm.xlane v1, v15;
	v51 =	vmin.f32 v20, v26;
	v59 =	vmin.f32 v35, v48  }
0x10a: {  	v20 =	vmax.f32 v20, v26;
	v35 =	vmax.f32 v35, v48;
	v23 =	vsub.f32 v34, v26  }
0x10b: {  	v24 =	vmul.f32 v31, v24;
	v27 =	vmax.f32 v22, $9.999999930e-09;
	v31 =	vsub.f32 v32, v44  }
0x10c: {  	vm8 =	vle.f32 v22, $0.0e+00;
	v52 =	vmax.f32 v38, v33;
	v45 =	vsub.f32 v63, v51  }
0x10d: {  	v38 =	vmin.f32 v38, v33;
	v20 =	vsub.f32 v37, v20;
	v33 =	vsub.f32 v33, v56  }
0x10e: {  	v56 =	vmul.f32 $9.999999930e-09, v21;
	v47 =	vmax.f32 v40, v16;
	v57 =	vmin.f32 v30, v39  }
0x10f: {  	v58 =	vmax.f32 v41, v28;
	v52 =	vsub.f32 v52, v53;
	v60 =	vmax.f32 v62, v15  }
0x110: {  	v61 =	vmin.f32 v17, v42;
	v40 =	vmin.f32 v40, v16;
	v41 =	vmin.f32 v41, v28  }
0x111: {  	v43 =	vmin.f32 v62, v15;
	v29 =	vsub.f32 v38, v29;
	v16 =	vsub.f32 v16, v39  }
0x112: {  	v30 =	vmax.f32 v30, v39;
	v15 =	vsub.f32 v15, v42;
	v28 =	vsub.f32 v28, v48  }
0x113: {  	v17 =	vmax.f32 v17, v42;
	v47 =	vsub.f32 v47, v57;
	v51 =	vsub.f32 v58, v59  }
0x114: {  	v22 =	vmul.f32 v23, v31;
	v50 =	vsub.f32 v60, v61;
	v30 =	vsub.f32 v40, v30  }
0x115: {  	v62 =	vmul.f32 v45, v49;
	v35 =	vsub.f32 v41, v35;
	v17 =	vsub.f32 v43, v17  }
0x116: {  	v45 =	vmax.f32 v20, $9.999999930e-09;
	vm9 =	vle.f32 v20, $0.0e+00;
	v20 =	vmul.f32 $9.999999930e-09, v25  }
0x117: {  	v58 =	vmul.f32 $9.999999930e-09, v24;
	v59 =	vadd.s32 $0xC0CAFB0D, v25;
	v27 =	vmul.f32 v45, v27  }
0x118: {  	v46 =	vmax.f32 v29, $9.999999930e-09;
	v16 =	vmul.f32 v16, v33;
	v15 =	vmul.f32 v15, v28  }
0x119: {  	vm10 =	vle.f32 v29, $0.0e+00;
	vm0 =	vmor vm8, vm9;
	v63 =	vmul.f32 v47, v52  }
0x11a: {  	v26 =	vmul.f32 v50, v51;
	v47 =	vmax.f32 v30, $9.999999930e-09;
	v48 =	vmax.f32 v35, $9.999999930e-09  }
0x11b: {  	v49 =	vsub.f32 v62, v21;
	v51 =	vmax.f32 v17, $9.999999930e-09;
	v28 =	vmul.f32 $9.999999930e-09, v62  }
0x11c: {  	vm11 =	vle.f32 v30, $0.0e+00;
	vm12 =	vle.f32 v35, $0.0e+00;
	vm13 =	vle.f32 v17, $0.0e+00  }
0x11d: {  	v62 =	vadd.s32 $0xC0CAFB0D, v24;
	v52 =	vmul.f32 v47, v46;
	v23 =	vmul.f32 v51, v48  }
0x11e: {  	v31 =	vsub.f32 v21, v27;
	vm14 =	vmor vm10, vm11;
	vm15 =	vmor vm12, vm13  }
0x11f: {  	s29 =	simm.s32 $0xAA0;
	v48 =	vand.u32 $0xFF800000, v59;
	v59 =	vshra.s32 v59, $0x17;
	v36 =	vshra.s32 v62, $0x17  }
0x120: {  	s28 =	simm.s32 $0xCA0;
	[tilespmem:s29+$0x10] =	vst v11;
	v50 =	vsub.f32 v63, v25;
	v53 =	vsub.f32 v26, v24;
	v55 =	vmul.f32 $9.999999930e-09, v63  }
0x121: {  	[tilespmem:s28+$0x10] =	vst v12;
	v22 =	vsub.f32 v49, v22;
	v26 =	vmul.f32 $9.999999930e-09, v26;
	v12 =	vcvt.s32.f32 v59  }
0x122: {  	v54 =	vsub.f32 v25, v52;
	v57 =	vsub.f32 v24, v23;
	v17 =	vmax.f32 v31, v56  }
0x123: {  	v31 =	vadd.s32 $0xC0CAFB0D, v21;
	v16 =	vsub.f32 v50, v16;
	v15 =	vsub.f32 v53, v15  }
0x124: {  	v22 =	vmax.f32 v22, v28;
	v17 =	vsel vm0, v21, v17;
	v47 =	vand.u32 $0xFF800000, v31  }
0x125: {  	v50 =	vand.u32 $0xFF800000, v62;
	v20 =	vmax.f32 v54, v20;
	v22 =	vsel vm0, v22, v27  }
0x126: {  	v28 =	vadd.s32 $0xC0CAFB0D, v17;
	v21 =	vsub.s32 v21, v47;
	v16 =	vmax.f32 v16, v55  }
0x127: {  	v15 =	vmax.f32 v15, v26;
	v26 =	vmax.f32 v57, v58;
	v20 =	vsel vm14, v25, v20  }
0x128: {  	v63 =	vand.u32 $0xFF800000, v28;
	v25 =	vsub.s32 v25, v48;
	v28 =	vshra.s32 v28, $0x17  }
0x129: {  	v58 =	vshra.s32 v31, $0x17;
	v16 =	vsel vm14, v16, v52;
	v15 =	vsel vm15, v15, v23  }
0x12a: {  	v23 =	vadd.s32 $0xC0CAFB0D, v22;
	v26 =	vsel vm15, v24, v26;
	v29 =	vadd.s32 $0xC0CAFB0D, v20  }
0x12b: {  	v17 =	vsub.s32 v17, v63;
	v27 =	vadd.s32 $0xC0CAFB0D, v16;
	v30 =	vadd.s32 $0xC0CAFB0D, v15  }
0x12c: {  	v33 =	vadd.s32 $0xC0CAFB0D, v26;
	v60 =	vand.u32 $0xFF800000, v23;
	v45 =	vand.u32 $0xFF800000, v29  }
0x12d: {  	v23 =	vshra.s32 v23, $0x17;
	v39 =	vadd.f32 $-1.000000000e+00, v17;
	v17 =	vadd.f32 $-1.000000000e+00, v25  }
0x12e: {  	v57 =	vshra.s32 v29, $0x17;
	v61 =	vand.u32 $0xFF800000, v27;
	v46 =	vand.u32 $0xFF800000, v30  }
0x12f: {  	v49 =	vand.u32 $0xFF800000, v33;
	v22 =	vsub.s32 v22, v60;
	v20 =	vsub.s32 v20, v45  }
0x130: {  	v54 =	vshra.s32 v27, $0x17;
	v56 =	vshra.s32 v30, $0x17;
	v33 =	vshra.s32 v33, $0x17  }
0x131: {  	v27 =	vcvt.s32.f32 v23;
	v23 =	vcvt.s32.f32 v57;
	v16 =	vsub.s32 v16, v61  }
0x132: {  	v15 =	vsub.s32 v15, v46;
	v26 =	vsub.s32 v26, v49;
	v37 =	vadd.f32 $-1.000000000e+00, v22  }
0x133: {  	v22 =	vsub.s32 v24, v50;
	v41 =	vadd.f32 $-1.000000000e+00, v20;
	v52 =	vmul.f32 $1.393126250e-01, v17  }
0x134: {  	v29 =	vcvt.s32.f32 v56;
	v38 =	vadd.f32 $-1.000000000e+00, v16;
	v40 =	vadd.f32 $-1.000000000e+00, v15  }
0x135: {  	v42 =	vadd.f32 $-1.000000000e+00, v26;
	v16 =	vadd.f32 $-1.000000000e+00, v21;
	v21 =	vmul.f32 $1.393126250e-01, v39  }
0x136: {  	v15 =	vadd.f32 $-1.000000000e+00, v22;
	v24 =	vmul.f32 $1.393126250e-01, v37;
	v25 =	vmul.f32 $1.393126250e-01, v41  }
0x137: {  	v35 =	vsub.f32 $2.229499520e-01, v52;
	v20 =	vmul.f32 $1.393126250e-01, v38;
	v22 =	vmul.f32 $1.393126250e-01, v40  }
0x138: {  	v26 =	vmul.f32 $1.393126250e-01, v42;
	v51 =	vmul.f32 $1.393126250e-01, v16;
	v21 =	vsub.f32 $2.229499520e-01, v21  }
0x139: {  	v53 =	vmul.f32 $1.393126250e-01, v15;
	v24 =	vsub.f32 $2.229499520e-01, v24;
	v25 =	vsub.f32 $2.229499520e-01, v25  }
0x13a: {  	v35 =	vmul.f32 v35, v17;
	v20 =	vsub.f32 $2.229499520e-01, v20;
	v22 =	vsub.f32 $2.229499520e-01, v22  }
0x13b: {  	v26 =	vsub.f32 $2.229499520e-01, v26;
	v34 =	vsub.f32 $2.229499520e-01, v51;
	v21 =	vmul.f32 v21, v39  }
0x13c: {  	v43 =	vsub.f32 $2.229499520e-01, v53;
	v24 =	vmul.f32 v24, v37;
	v25 =	vmul.f32 v25, v41  }
0x13d: {  	v35 =	vadd.f32 $-2.556477190e-01, v35;
	v20 =	vmul.f32 v20, v38;
	v22 =	vmul.f32 v22, v40  }
0x13e: {  	v26 =	vmul.f32 v26, v42;
	v34 =	vmul.f32 v34, v16;
	v21 =	vadd.f32 $-2.556477190e-01, v21  }
0x13f: {  	v43 =	vmul.f32 v43, v15;
	v24 =	vadd.f32 $-2.556477190e-01, v24;
	v25 =	vadd.f32 $-2.556477190e-01, v25  }
0x140: {  	v35 =	vmul.f32 v35, v17;
	v20 =	vadd.f32 $-2.556477190e-01, v20;
	v22 =	vadd.f32 $-2.556477190e-01, v22  }
0x141: {  	v26 =	vadd.f32 $-2.556477190e-01, v26;
	v34 =	vadd.f32 $-2.556477190e-01, v34;
	v21 =	vmul.f32 v21, v39  }
0x142: {  	v43 =	vadd.f32 $-2.556477190e-01, v43;
	v24 =	vmul.f32 v24, v37;
	v25 =	vmul.f32 v25, v41  }
0x143: {  	v35 =	vadd.f32 $3.322894280e-01, v35;
	v20 =	vmul.f32 v20, v38;
	v22 =	vmul.f32 v22, v40  }
0x144: {  	v26 =	vmul.f32 v26, v42;
	v34 =	vmul.f32 v34, v16;
	v21 =	vadd.f32 $3.322894280e-01, v21  }
0x145: {  	v43 =	vmul.f32 v43, v15;
	v24 =	vadd.f32 $3.322894280e-01, v24;
	v25 =	vadd.f32 $3.322894280e-01, v25  }
0x146: {  	v35 =	vmul.f32 v35, v17;
	v20 =	vadd.f32 $3.322894280e-01, v20;
	v22 =	vadd.f32 $3.322894280e-01, v22  }
0x147: {  	v26 =	vadd.f32 $3.322894280e-01, v26;
	v34 =	vadd.f32 $3.322894280e-01, v34;
	v21 =	vmul.f32 v21, v39  }
0x148: {  	v43 =	vadd.f32 $3.322894280e-01, v43;
	v24 =	vmul.f32 v24, v37;
	v25 =	vmul.f32 v25, v41  }
0x149: {  	v35 =	vadd.f32 $-4.997861680e-01, v35;
	v20 =	vmul.f32 v20, v38;
	v22 =	vmul.f32 v22, v40  }
0x14a: {  	v26 =	vmul.f32 v26, v42;
	v34 =	vmul.f32 v34, v16;
	v21 =	vadd.f32 $-4.997861680e-01, v21  }
0x14b: {  	v43 =	vmul.f32 v43, v15;
	v24 =	vadd.f32 $-4.997861680e-01, v24;
	v25 =	vadd.f32 $-4.997861680e-01, v25  }
0x14c: {  	v35 =	vmul.f32 v35, v17;
	v20 =	vadd.f32 $-4.997861680e-01, v20;
	v22 =	vadd.f32 $-4.997861680e-01, v22  }
0x14d: {  	v26 =	vadd.f32 $-4.997861680e-01, v26;
	v34 =	vadd.f32 $-4.997861680e-01, v34;
	v21 =	vmul.f32 v21, v39  }
0x14e: {  	v43 =	vadd.f32 $-4.997861680e-01, v43;
	v24 =	vmul.f32 v24, v37;
	v55 =	vmul.f32 v25, v41  }
0x14f: {  	v25 =	vcvt.s32.f32 v54;
	v31 =	vadd.f32 $1.000012990e+00, v35;
	v35 =	vadd.f32 v6, v14  }
0x150: {  	v6 =	vsub.f32 v5, v9;
	v20 =	vmul.f32 v20, v38;
	v22 =	vmul.f32 v22, v40  }
0x151: {  	v26 =	vmul.f32 v26, v42;
	v34 =	vmul.f32 v34, v16;
	v21 =	vadd.f32 $1.000012990e+00, v21  }
0x152: {  	v43 =	vmul.f32 v43, v15;
	v60 =	vadd.f32 $1.000012990e+00, v24;
	v62 =	vadd.f32 $1.000012990e+00, v55  }
0x153: {  	v24 =	vcvt.s32.f32 v28;
	v20 =	vadd.f32 $1.000012990e+00, v20;
	v61 =	vadd.f32 $1.000012990e+00, v22  }
0x154: {  	v28 =	vcvt.s32.f32 v58;
	v63 =	vadd.f32 $1.000012990e+00, v26;
	v30 =	vadd.f32 $1.000012990e+00, v34  }
0x155: {  	s25 =	simm.s32 $0xAE0;
	v32 =	vadd.f32 $1.000012990e+00, v43;
	v22 =	vcvt.s32.f32 v33;
	v26 =	vcvt.s32.f32 v36  }
0x156: {  	s26 =	simm.s32 $0xCE0;
	[tilespmem:s25+$0x10] =	vst v19;
	v33 =	vadd.f32 v7, v13;
	v14 =	vmul.f32 v21, v39;
	v34 =	vmul.f32 v60, v37  }
0x157: {  	[tilespmem:s26+$0x10] =	vst v18;
	v7 =	vsub.f32 v35, v10;
	v18 =	vmul.f32 v62, v41;
	v11 =	vmul.f32 v20, v38  }
0x158: {  	s30 =	simm.s32 $0x40;
	s31 =	simm.s32 $0x8A0;
	[tilespmem:s29+$0xFFFFFFE0] =	vst v6;
	v20 =	vmul.f32 v61, v40;
	v13 =	vmul.f32 v63, v42;
	v8 =	vsub.f32 v33, v8  }
.LBB2_2:
0x159: {  	v19 =	vld [tilespmem:s31+$0x10];
	v16 =	vmul.f32 v30, v16;
	v6 =	vmul.f32 v31, v17;
	s21 =	sadd.s32 $0x40, s21;
	v4 =	vsub.f32 v5, v4;
	[tilespmem:s29+$0xFFFFFFF0] =	vst v7  }
0x15a: {  	v5 =	vmul.f32 $6.931471820e-01, v27;
	v7 =	vmul.f32 v32, v15;
	s22 =	sadd.s32 $0x40, s22;
	v3 =	vsub.f32 v35, v3;
	v17 =	vld [tilespmem:s21+$0x10];
	[tilespmem:s29+$0x0] =	vst v8;
	s29 =	smov.u32 s25  }
0x15b: {  	v9 =	vmul.f32 $6.931471820e-01, v25;
	v10 =	vmul.f32 $6.931471820e-01, v29;
	s23 =	sadd.s32 $0x40, s23;
	v2 =	vsub.f32 v33, v2;
	v15 =	vld [tilespmem:s22+$0x10];
	[tilespmem:s28+$0xFFFFFFE0] =	vst v4  }
0x15c: {  	s24 =	sadd.s32 $0x40, s24;
	v8 =	vadd.f32 v34, v5;
	v4 =	vmul.f32 $6.931471820e-01, v24;
	v5 =	vmul.f32 $6.931471820e-01, v23;
	v21 =	vld [tilespmem:s23+$0x10];
	[tilespmem:s28+$0xFFFFFFF0] =	vst v3  }
0x15d: {  	v22 =	vmul.f32 $6.931471820e-01, v22;
	v24 =	vmul.f32 $6.931471820e-01, v28;
	v9 =	vadd.f32 v11, v9;
	v23 =	vld [tilespmem:s24+$0x10];
	[tilespmem:s28+$0x0] =	vst v2;
	s28 =	smov.u32 s26  }
0x15e: {  	v12 =	vmul.f32 $6.931471820e-01, v12;
	v11 =	vmul.f32 $6.931471820e-01, v26;
	v10 =	vadd.f32 v20, v10;
	v25 =	vld [tilespmem:s22+$0xFFFFFFE0]  }
0x15f: {  	s30 =	sadd.s32 $0x40, s30;
	v4 =	vadd.f32 v14, v4;
	v3 =	vadd.f32 v18, v5;
	v20 =	vld [tilespmem:s23+$0xFFFFFFE0]  }
0x160: {  	p0 =	slt.u32 s30, $0x1C0;
	v5 =	vadd.f32 v16, v24;
	v2 =	vadd.f32 v13, v22;
	v14 =	vld [tilespmem:s24+$0xFFFFFFE0]  }
0x161: {  	v16 =	vshll.u32 v19, $0x1;
	v17 =	vand.u32 $0x7FFFFFFF, v17;
	v15 =	vand.u32 $0x7FFFFFFF, v15;
	v13 =	vld [tilespmem:s21+$0xFFFFFFF0]  }
0x162: {  	v17 =	vmul.f32 $5.500000000e+00, v17;
	v19 =	vand.u32 $0x7FFFFFFF, v21;
	v18 =	vld [tilespmem:s22+$0xFFFFFFF0];
	v21 =	vand.u32 $0x7FFFFFFF, v23  }
0x163: {  	v16 =	vand.u32 $0xE, v16;
	v15 =	vmul.f32 $5.500000000e+00, v15;
	v19 =	vmul.f32 $5.500000000e+00, v19;
	v22 =	vld [tilespmem:s23+$0xFFFFFFF0]  }
0x164: {  	v23 =	vand.u32 $0x7FFFFFFF, v25;
	v25 =	vperm.xlane v0, v16;
	v21 =	vmul.f32 $5.500000000e+00, v21;
	v24 =	vld [tilespmem:s24+$0xFFFFFFF0]  }
0x165: {  	v27 =	vperm.xlane v1, v16;
	v17 =	vadd.f32 $4.500000000e+00, v17;
	v15 =	vadd.f32 $4.500000000e+00, v15;
	v26 =	vld [tilespmem:s21+$0x0]  }
0x166: {  	v16 =	vor.u32 $0x1, v16;
	v19 =	vadd.f32 $4.500000000e+00, v19;
	v21 =	vadd.f32 $4.500000000e+00, v21;
	v28 =	vld [tilespmem:s22+$0x0]  }
0x167: {  	v30 =	vperm.xlane v0, v16;
	v16 =	vperm.xlane v1, v16;
	v31 =	vsub.f32 v27, v25;
	v29 =	vld [tilespmem:s23+$0x0]  }
0x168: {  	v20 =	vand.u32 $0x7FFFFFFF, v20;
	v33 =	vadd.f32 v19, v17;
	v34 =	vadd.f32 v21, v15;
	v32 =	vld [tilespmem:s24+$0x0]  }
0x169: {  	v36 =	vsub.f32 v16, v30;
	v19 =	vmul.f32 v21, v19;
	v21 =	vmin.f32 v17, v25;
	v35 =	vld [tilespmem:s21+$0xFFFFFFE0]  }
0x16a: {  	v40 =	vmin.f32 v15, v30;
	v38 =	vmax.f32 v33, v27;
	v39 =	vmax.f32 v34, v16;
	v37 =	vld [tilespmem:s31+$0xFFFFFFE0]  }
0x16b: {  	v17 =	vmax.f32 v17, v25;
	v21 =	vsub.f32 v38, v21;
	v25 =	vsub.f32 v39, v40;
	v41 =	vld [tilespmem:s31+$0xFFFFFFF0]  }
0x16c: {  	v15 =	vmax.f32 v15, v30;
	v27 =	vmin.f32 v33, v27;
	v16 =	vmin.f32 v34, v16;
	v38 =	vld [tilespmem:s31+$0x0]  }
0x16d: {  	v17 =	vsub.f32 v27, v17;
	v15 =	vsub.f32 v16, v15;
	v16 =	vmul.f32 v25, v21  }
0x16e: {  	v14 =	vand.u32 $0x7FFFFFFF, v14;
	v25 =	vmul.f32 v36, v31;
	v21 =	vand.u32 $0x7FFFFFFF, v35  }
0x16f: {  	v27 =	vmax.f32 v17, $9.999999930e-09;
	v30 =	vmax.f32 v15, $9.999999930e-09;
	v31 =	vsub.f32 v16, v19  }
0x170: {  	v13 =	vand.u32 $0x7FFFFFFF, v13;
	v18 =	vand.u32 $0x7FFFFFFF, v18;
	v27 =	vmul.f32 v30, v27  }
0x171: {  	v30 =	vmul.f32 $9.999999930e-09, v19;
	v16 =	vmul.f32 $9.999999930e-09, v16;
	v25 =	vsub.f32 v31, v25  }
0x172: {  	vm0 =	vle.f32 v17, $0.0e+00;
	vm1 =	vle.f32 v15, $0.0e+00;
	v15 =	vsub.f32 v19, v27  }
0x173: {  	v17 =	vand.u32 $0x7FFFFFFF, v22;
	vm0 =	vmor vm0, vm1;
	v16 =	vmax.f32 v25, v16  }
0x174: {  	v22 =	vand.u32 $0x7FFFFFFF, v24;
	v15 =	vmax.f32 v15, v30;
	v16 =	vsel vm0, v16, v27  }
0x175: {  	v24 =	vadd.s32 $0xC0CAFB0D, v19;
	v15 =	vsel vm0, v19, v15;
	v25 =	vadd.s32 $0xC0CAFB0D, v16  }
0x176: {  	v27 =	vand.u32 $0xFF800000, v24;
	v31 =	vadd.s32 $0xC0CAFB0D, v15;
	v30 =	vand.u32 $0xFF800000, v25  }
0x177: {  	v19 =	vsub.s32 v19, v27;
	v27 =	vand.u32 $0xFF800000, v31;
	v16 =	vsub.s32 v16, v30  }
0x178: {  	v19 =	vadd.f32 $-1.000000000e+00, v19;
	v15 =	vsub.s32 v15, v27;
	v16 =	vadd.f32 $-1.000000000e+00, v16  }
0x179: {  	v26 =	vand.u32 $0x7FFFFFFF, v26;
	v27 =	vand.u32 $0x7FFFFFFF, v28;
	v15 =	vadd.f32 $-1.000000000e+00, v15  }
0x17a: {  	v28 =	vand.u32 $0x7FFFFFFF, v29;
	v29 =	vmul.f32 $1.393126250e-01, v19;
	v30 =	vmul.f32 $1.393126250e-01, v16  }
0x17b: {  	v32 =	vand.u32 $0x7FFFFFFF, v32;
	v21 =	vmul.f32 $5.500000000e+00, v21;
	v33 =	vmul.f32 $1.393126250e-01, v15  }
0x17c: {  	v23 =	vmul.f32 $5.500000000e+00, v23;
	v29 =	vsub.f32 $2.229499520e-01, v29;
	v30 =	vsub.f32 $2.229499520e-01, v30  }
0x17d: {  	v20 =	vmul.f32 $5.500000000e+00, v20;
	v14 =	vmul.f32 $5.500000000e+00, v14;
	v33 =	vsub.f32 $2.229499520e-01, v33  }
0x17e: {  	v34 =	vshll.u32 v37, $0x1;
	v29 =	vmul.f32 v29, v19;
	v30 =	vmul.f32 v30, v16  }
0x17f: {  	v36 =	vmul.f32 $5.500000000e+00, v13;
	v35 =	vshll.u32 v41, $0x1;
	v13 =	vmul.f32 v33, v15  }
0x180: {  	v18 =	vmul.f32 $5.500000000e+00, v18;
	v29 =	vadd.f32 $-2.556477190e-01, v29;
	v30 =	vadd.f32 $-2.556477190e-01, v30  }
0x181: {  	v17 =	vmul.f32 $5.500000000e+00, v17;
	v22 =	vmul.f32 $5.500000000e+00, v22;
	v33 =	vadd.f32 $-2.556477190e-01, v13  }
0x182: {  	v37 =	vshll.u32 v38, $0x1;
	v29 =	vmul.f32 v29, v19;
	v30 =	vmul.f32 v30, v16  }
0x183: {  	v13 =	vadd.f32 $4.500000000e+00, v21;
	v21 =	vmul.f32 $5.500000000e+00, v26;
	v26 =	vmul.f32 v33, v15  }
0x184: {  	v27 =	vmul.f32 $5.500000000e+00, v27;
	v29 =	vadd.f32 $3.322894280e-01, v29;
	v30 =	vadd.f32 $3.322894280e-01, v30  }
0x185: {  	v32 =	vmul.f32 $5.500000000e+00, v32;
	v28 =	vmul.f32 $5.500000000e+00, v28;
	v26 =	vadd.f32 $3.322894280e-01, v26  }
0x186: {  	v24 =	vshra.s32 v24, $0x17;
	v29 =	vmul.f32 v29, v19;
	v30 =	vmul.f32 v30, v16  }
0x187: {  	v23 =	vadd.f32 $4.500000000e+00, v23;
	v24 =	vcvt.s32.f32 v24;
	v26 =	vmul.f32 v26, v15  }
0x188: {  	v33 =	vand.u32 $0xE, v34;
	v29 =	vadd.f32 $-4.997861680e-01, v29;
	v30 =	vadd.f32 $-4.997861680e-01, v30  }
0x189: {  	v20 =	vadd.f32 $4.500000000e+00, v20;
	v24 =	vmul.f32 $6.931471820e-01, v24;
	v26 =	vadd.f32 $-4.997861680e-01, v26  }
0x18a: {  	v25 =	vshra.s32 v25, $0x17;
	v29 =	vmul.f32 v29, v19;
	v30 =	vmul.f32 v30, v16  }
0x18b: {  	v14 =	vadd.f32 $4.500000000e+00, v14;
	v25 =	vcvt.s32.f32 v25;
	v26 =	vmul.f32 v26, v15  }
0x18c: {  	v31 =	vshra.s32 v31, $0x17;
	v29 =	vadd.f32 $1.000012990e+00, v29;
	v30 =	vadd.f32 $1.000012990e+00, v30  }
0x18d: {  	v31 =	vcvt.s32.f32 v31;
	v25 =	vmul.f32 $6.931471820e-01, v25;
	v26 =	vadd.f32 $1.000012990e+00, v26  }
0x18e: {  	v34 =	vadd.f32 $4.500000000e+00, v36;
	v19 =	vmul.f32 v29, v19;
	v16 =	vmul.f32 v30, v16  }
0x18f: {  	v18 =	vadd.f32 $4.500000000e+00, v18;
	v15 =	vmul.f32 v26, v15;
	v26 =	vmul.f32 $6.931471820e-01, v31  }
0x190: {  	v29 =	vand.u32 $0xE, v35;
	v19 =	vadd.f32 v19, v24;
	v16 =	vadd.f32 v16, v25  }
0x191: {  	v17 =	vadd.f32 $4.500000000e+00, v17;
	v24 =	vand.u32 $0xE, v37;
	v15 =	vadd.f32 v15, v26  }
0x192: {  	v22 =	vadd.f32 $4.500000000e+00, v22;
	v25 =	vor.u32 $0x1, v33;
	v16 =	vsub.f32 v19, v16  }
0x193: {  	s25 =	sadd.s32 $0x40, s25;
	v21 =	vadd.f32 $4.500000000e+00, v21;
	v26 =	vor.u32 $0x1, v29;
	v15 =	vsub.f32 v19, v15  }
0x194: {  	s26 =	sadd.s32 $0x40, s26;
	v27 =	vadd.f32 $4.500000000e+00, v27;
	v28 =	vadd.f32 $4.500000000e+00, v28;
	v19 =	vor.u32 $0x1, v24;
	[tilespmem:s25+$0x10] =	vst v16  }
0x195: {  	v31 =	vadd.f32 $4.500000000e+00, v32;
	v30 =	vadd.f32 v20, v13;
	v16 =	vperm.xlane v0, v25;
	[tilespmem:s26+$0x10] =	vst v15  }
0x196: {  	v32 =	vadd.f32 v17, v34;
	v15 =	vperm.xlane v1, v25;
	v25 =	vadd.f32 v14, v23  }
0x197: {  	v36 =	vadd.f32 v22, v18;
	v37 =	vadd.f32 v28, v21;
	v35 =	vperm.xlane v0, v26  }
0x198: {  	v39 =	vadd.f32 v31, v27;
	v26 =	vperm.xlane v1, v26;
	v38 =	vperm.xlane v0, v19  }
0x199: {  	v40 =	vperm.xlane v0, v33;
	v19 =	vperm.xlane v1, v19;
	v41 =	vmax.f32 v25, v15  }
0x19a: {  	v42 =	vperm.xlane v0, v29;
	v33 =	vperm.xlane v1, v33;
	v43 =	vmax.f32 v36, v26  }
0x19b: {  	v29 =	vperm.xlane v1, v29;
	v44 =	vperm.xlane v0, v24;
	v45 =	vmax.f32 v39, v19  }
0x19c: {  	v47 =	vmin.f32 v13, v40;
	v46 =	vmax.f32 v30, v33;
	v24 =	vperm.xlane v1, v24  }
0x19d: {  	v50 =	vmin.f32 v34, v42;
	v49 =	vmax.f32 v32, v29;
	v48 =	vmin.f32 v23, v16  }
0x19e: {  	v53 =	vmin.f32 v21, v44;
	v51 =	vmin.f32 v18, v35;
	v52 =	vmax.f32 v37, v24  }
0x19f: {  	v46 =	vsub.f32 v46, v47;
	v47 =	vmin.f32 v27, v38;
	v41 =	vsub.f32 v41, v48  }
0x1a0: {  	v30 =	vmin.f32 v30, v33;
	v43 =	vsub.f32 v43, v51;
	v48 =	vsub.f32 v49, v50  }
0x1a1: {  	v45 =	vsub.f32 v45, v47;
	v25 =	vmin.f32 v25, v15;
	v49 =	vsub.f32 v52, v53  }
0x1a2: {  	v32 =	vmin.f32 v32, v29;
	v36 =	vmin.f32 v36, v26;
	v37 =	vmin.f32 v37, v24  }
0x1a3: {  	v13 =	vmax.f32 v13, v40;
	v39 =	vmin.f32 v39, v19;
	v23 =	vmax.f32 v23, v16  }
0x1a4: {  	v34 =	vmax.f32 v34, v42;
	v21 =	vmax.f32 v21, v44;
	v18 =	vmax.f32 v18, v35  }
0x1a5: {  	v13 =	vsub.f32 v30, v13;
	v23 =	vsub.f32 v25, v23;
	v25 =	vmax.f32 v27, v38  }
0x1a6: {  	v30 =	vsub.f32 v32, v34;
	v18 =	vsub.f32 v36, v18;
	v27 =	vmul.f32 v41, v46  }
0x1a7: {  	v21 =	vsub.f32 v37, v21;
	v25 =	vsub.f32 v39, v25;
	v32 =	vmul.f32 v43, v48  }
0x1a8: {  	v14 =	vmul.f32 v14, v20;
	v15 =	vsub.f32 v15, v16;
	v16 =	vmul.f32 v45, v49  }
0x1a9: {  	v17 =	vmul.f32 v22, v17;
	v31 =	vmul.f32 v31, v28;
	v20 =	vsub.f32 v26, v35  }
0x1aa: {  	v22 =	vmax.f32 v13, $9.999999930e-09;
	v19 =	vsub.f32 v19, v38;
	v26 =	vsub.f32 v33, v40  }
0x1ab: {  	v29 =	vsub.f32 v29, v42;
	v24 =	vsub.f32 v24, v44;
	v28 =	vmax.f32 v23, $9.999999930e-09  }
0x1ac: {  	v34 =	vmax.f32 v18, $9.999999930e-09;
	v33 =	vmax.f32 v30, $9.999999930e-09;
	v35 =	vmax.f32 v21, $9.999999930e-09  }
0x1ad: {  	v38 =	vmax.f32 v25, $9.999999930e-09;
	v36 =	vsub.f32 v27, v14;
	v37 =	vsub.f32 v32, v17  }
0x1ae: {  	v22 =	vmul.f32 v28, v22;
	v28 =	vmul.f32 v34, v33;
	v33 =	vsub.f32 v16, v31  }
0x1af: {  	vm0 =	vle.f32 v13, $0.0e+00;
	v13 =	vmul.f32 v15, v26;
	v15 =	vmul.f32 v38, v35  }
0x1b0: {  	v19 =	vmul.f32 v19, v24;
	v20 =	vmul.f32 v20, v29;
	v26 =	vsub.f32 v14, v22  }
0x1b1: {  	v24 =	vmul.f32 $9.999999930e-09, v27;
	v27 =	vsub.f32 v17, v28;
	v13 =	vsub.f32 v36, v13  }
0x1b2: {  	v29 =	vmul.f32 $9.999999930e-09, v32;
	v20 =	vsub.f32 v37, v20;
	v19 =	vsub.f32 v33, v19  }
0x1b3: {  	v32 =	vmul.f32 $9.999999930e-09, v14;
	v16 =	vmul.f32 $9.999999930e-09, v16;
	v33 =	vsub.f32 v31, v15  }
0x1b4: {  	vm1 =	vle.f32 v23, $0.0e+00;
	v23 =	vmul.f32 $9.999999930e-09, v17;
	v34 =	vmul.f32 $9.999999930e-09, v31  }
0x1b5: {  	vm2 =	vle.f32 v30, $0.0e+00;
	vm3 =	vle.f32 v18, $0.0e+00;
	vm4 =	vle.f32 v21, $0.0e+00  }
0x1b6: {  	vm5 =	vle.f32 v25, $0.0e+00;
	v13 =	vmax.f32 v13, v24;
	v18 =	vmax.f32 v20, v29  }
0x1b7: {  	v21 =	vmax.f32 v27, v23;
	v20 =	vmax.f32 v26, v32;
	v16 =	vmax.f32 v19, v16  }
0x1b8: {  	vm0 =	vmor vm0, vm1;
	vm1 =	vmor vm2, vm3;
	v19 =	vmax.f32 v33, v34  }
0x1b9: {  	vm2 =	vmor vm4, vm5;
	v13 =	vsel vm0, v13, v22;
	v18 =	vsel vm1, v18, v28  }
0x1ba: {  	v21 =	vsel vm1, v17, v21;
	v20 =	vsel vm0, v14, v20;
	v15 =	vsel vm2, v16, v15  }
0x1bb: {  	v19 =	vsel vm2, v31, v19;
	v16 =	vadd.s32 $0xC0CAFB0D, v13;
	v29 =	vadd.s32 $0xC0CAFB0D, v18  }
0x1bc: {  	v25 =	vadd.s32 $0xC0CAFB0D, v21;
	v23 =	vadd.s32 $0xC0CAFB0D, v20;
	v28 =	vadd.s32 $0xC0CAFB0D, v15  }
0x1bd: {  	v24 =	vadd.s32 $0xC0CAFB0D, v17;
	v22 =	vadd.s32 $0xC0CAFB0D, v14;
	v27 =	vadd.s32 $0xC0CAFB0D, v19  }
0x1be: {  	v26 =	vadd.s32 $0xC0CAFB0D, v31;
	v30 =	vand.u32 $0xFF800000, v16;
	v32 =	vand.u32 $0xFF800000, v29  }
0x1bf: {  	v34 =	vand.u32 $0xFF800000, v25;
	v33 =	vand.u32 $0xFF800000, v23;
	v35 =	vand.u32 $0xFF800000, v28  }
0x1c0: {  	v37 =	vand.u32 $0xFF800000, v24;
	v36 =	vand.u32 $0xFF800000, v22;
	v38 =	vand.u32 $0xFF800000, v27  }
0x1c1: {  	v13 =	vsub.s32 v13, v30;
	v18 =	vsub.s32 v18, v32;
	v30 =	vand.u32 $0xFF800000, v26  }
0x1c2: {  	v21 =	vsub.s32 v21, v34;
	v20 =	vsub.s32 v20, v33;
	v15 =	vsub.s32 v15, v35  }
0x1c3: {  	v17 =	vsub.s32 v17, v37;
	v32 =	vsub.s32 v14, v36;
	v33 =	vsub.s32 v19, v38  }
0x1c4: {  	v13 =	vadd.f32 $-1.000000000e+00, v13;
	v14 =	vadd.f32 $-1.000000000e+00, v18;
	v31 =	vsub.s32 v31, v30  }
0x1c5: {  	v30 =	vshra.s32 v16, $0x17;
	v18 =	vadd.f32 $-1.000000000e+00, v20;
	v20 =	vadd.f32 $-1.000000000e+00, v15  }
0x1c6: {  	v19 =	vadd.f32 $-1.000000000e+00, v21;
	v21 =	vadd.f32 $-1.000000000e+00, v33;
	v34 =	vmul.f32 $1.393126250e-01, v13  }
0x1c7: {  	v17 =	vadd.f32 $-1.000000000e+00, v17;
	v16 =	vadd.f32 $-1.000000000e+00, v32;
	v32 =	vmul.f32 $1.393126250e-01, v14  }
0x1c8: {  	v15 =	vadd.f32 $-1.000000000e+00, v31;
	v33 =	vmul.f32 $1.393126250e-01, v18;
	v31 =	vmul.f32 $1.393126250e-01, v20  }
0x1c9: {  	v35 =	vmul.f32 $1.393126250e-01, v19;
	v36 =	vmul.f32 $1.393126250e-01, v21;
	v34 =	vsub.f32 $2.229499520e-01, v34  }
0x1ca: {  	v38 =	vmul.f32 $1.393126250e-01, v17;
	v37 =	vmul.f32 $1.393126250e-01, v16;
	v32 =	vsub.f32 $2.229499520e-01, v32  }
0x1cb: {  	v39 =	vmul.f32 $1.393126250e-01, v15;
	v33 =	vsub.f32 $2.229499520e-01, v33;
	v31 =	vsub.f32 $2.229499520e-01, v31  }
0x1cc: {  	v35 =	vsub.f32 $2.229499520e-01, v35;
	v36 =	vsub.f32 $2.229499520e-01, v36;
	v34 =	vmul.f32 v34, v13  }
0x1cd: {  	v38 =	vsub.f32 $2.229499520e-01, v38;
	v37 =	vsub.f32 $2.229499520e-01, v37;
	v32 =	vmul.f32 v32, v14  }
0x1ce: {  	v39 =	vsub.f32 $2.229499520e-01, v39;
	v33 =	vmul.f32 v33, v18;
	v31 =	vmul.f32 v31, v20  }
0x1cf: {  	v35 =	vmul.f32 v35, v19;
	v36 =	vmul.f32 v36, v21;
	v34 =	vadd.f32 $-2.556477190e-01, v34  }
0x1d0: {  	v38 =	vmul.f32 v38, v17;
	v37 =	vmul.f32 v37, v16;
	v32 =	vadd.f32 $-2.556477190e-01, v32  }
0x1d1: {  	v39 =	vmul.f32 v39, v15;
	v33 =	vadd.f32 $-2.556477190e-01, v33;
	v31 =	vadd.f32 $-2.556477190e-01, v31  }
0x1d2: {  	v35 =	vadd.f32 $-2.556477190e-01, v35;
	v36 =	vadd.f32 $-2.556477190e-01, v36;
	v34 =	vmul.f32 v34, v13  }
0x1d3: {  	v38 =	vadd.f32 $-2.556477190e-01, v38;
	v37 =	vadd.f32 $-2.556477190e-01, v37;
	v32 =	vmul.f32 v32, v14  }
0x1d4: {  	v39 =	vadd.f32 $-2.556477190e-01, v39;
	v33 =	vmul.f32 v33, v18;
	v31 =	vmul.f32 v31, v20  }
0x1d5: {  	v35 =	vmul.f32 v35, v19;
	v36 =	vmul.f32 v36, v21;
	v34 =	vadd.f32 $3.322894280e-01, v34  }
0x1d6: {  	v38 =	vmul.f32 v38, v17;
	v37 =	vmul.f32 v37, v16;
	v32 =	vadd.f32 $3.322894280e-01, v32  }
0x1d7: {  	v39 =	vmul.f32 v39, v15;
	v33 =	vadd.f32 $3.322894280e-01, v33;
	v31 =	vadd.f32 $3.322894280e-01, v31  }
0x1d8: {  	v35 =	vadd.f32 $3.322894280e-01, v35;
	v36 =	vadd.f32 $3.322894280e-01, v36;
	v34 =	vmul.f32 v34, v13  }
0x1d9: {  	v38 =	vadd.f32 $3.322894280e-01, v38;
	v37 =	vadd.f32 $3.322894280e-01, v37;
	v32 =	vmul.f32 v32, v14  }
0x1da: {  	v39 =	vadd.f32 $3.322894280e-01, v39;
	v33 =	vmul.f32 v33, v18;
	v31 =	vmul.f32 v31, v20  }
0x1db: {  	v35 =	vmul.f32 v35, v19;
	v36 =	vmul.f32 v36, v21;
	v34 =	vadd.f32 $-4.997861680e-01, v34  }
0x1dc: {  	v38 =	vmul.f32 v38, v17;
	v37 =	vmul.f32 v37, v16;
	v32 =	vadd.f32 $-4.997861680e-01, v32  }
0x1dd: {  	v39 =	vmul.f32 v39, v15;
	v33 =	vadd.f32 $-4.997861680e-01, v33;
	v31 =	vadd.f32 $-4.997861680e-01, v31  }
0x1de: {  	v35 =	vadd.f32 $-4.997861680e-01, v35;
	v36 =	vadd.f32 $-4.997861680e-01, v36;
	v34 =	vmul.f32 v34, v13  }
0x1df: {  	v38 =	vadd.f32 $-4.997861680e-01, v38;
	v37 =	vadd.f32 $-4.997861680e-01, v37;
	v32 =	vmul.f32 v32, v14  }
0x1e0: {  	v39 =	vadd.f32 $-4.997861680e-01, v39;
	v33 =	vmul.f32 v33, v18;
	v31 =	vmul.f32 v31, v20  }
0x1e1: {  	v29 =	vshra.s32 v29, $0x17;
	v35 =	vmul.f32 v35, v19;
	v36 =	vmul.f32 v36, v21  }
0x1e2: {  	v28 =	vshra.s32 v28, $0x17;
	v38 =	vmul.f32 v38, v17;
	v37 =	vmul.f32 v37, v16  }
0x1e3: {  	v40 =	vshra.s32 v25, $0x17;
	v23 =	vshra.s32 v23, $0x17;
	v39 =	vmul.f32 v39, v15  }
0x1e4: {  	v41 =	vshra.s32 v24, $0x17;
	v22 =	vshra.s32 v22, $0x17;
	v42 =	vshra.s32 v27, $0x17  }
0x1e5: {  	v26 =	vshra.s32 v26, $0x17;
	v34 =	vadd.f32 $1.000012990e+00, v34;
	v43 =	vadd.f32 $1.000012990e+00, v32  }
0x1e6: {  	v27 =	vcvt.s32.f32 v30;
	v44 =	vadd.f32 $1.000012990e+00, v33;
	v45 =	vadd.f32 $1.000012990e+00, v31  }
0x1e7: {  	v25 =	vcvt.s32.f32 v29;
	v46 =	vadd.f32 $1.000012990e+00, v35;
	v36 =	vadd.f32 $1.000012990e+00, v36  }
0x1e8: {  	v29 =	vcvt.s32.f32 v28;
	v30 =	vadd.f32 $1.000012990e+00, v37;
	v31 =	vadd.f32 $1.000012990e+00, v38  }
0x1e9: {  	v24 =	vcvt.s32.f32 v23;
	v23 =	vcvt.s32.f32 v40;
	v32 =	vadd.f32 $1.000012990e+00, v39  }
.Ltmp0:
0x1ea: {  	v28 =	vcvt.s32.f32 v22;
	v22 =	vcvt.s32.f32 v42;
	v35 =	vadd.f32 v6, v12;
	(pc) =	sbr.rel @p0 .LBB2_2-.Ltmp0, $4  }
0x1eb: {  	v26 =	vcvt.s32.f32 v26;
	v12 =	vcvt.s32.f32 v41;
	v33 =	vadd.f32 v7, v11  }
0x1ec: {  	v6 =	vsub.f32 v5, v8;
	v34 =	vmul.f32 v34, v13;
	v11 =	vmul.f32 v43, v14  }
0x1ed: {  	v7 =	vsub.f32 v35, v9;
	v14 =	vmul.f32 v44, v18;
	v20 =	vmul.f32 v45, v20  }
0x1ee: {  	s31 =	sadd.s32 $0x40, s31;
	v18 =	vmul.f32 v46, v19;
	v13 =	vmul.f32 v36, v21;
	v8 =	vsub.f32 v33, v10;
	[tilespmem:s29+$0xFFFFFFE0] =	vst v6  }
0x1ef: {  	v0 =	vmul.f32 v30, v16  }
0x1f0: {  	v1 =	vmul.f32 v31, v17;
	v6 =	vmul.f32 $6.931471820e-01, v27  }
0x1f1: {  	v4 =	vsub.f32 v5, v4;
	v50 =	vmul.f32 v32, v15;
	v9 =	vmul.f32 $6.931471820e-01, v25  }
0x1f2: {  	v3 =	vsub.f32 v35, v3;
	v10 =	vmul.f32 $6.931471820e-01, v29;
	v51 =	vmul.f32 $6.931471820e-01, v28  }
0x1f3: {  	[tilespmem:s29+$0xFFFFFFF0] =	vst v7;
	v2 =	vsub.f32 v33, v2;
	v52 =	vmul.f32 $6.931471820e-01, v12;
	v6 =	vadd.f32 v34, v6  }
0x1f4: {  	v54 =	vmul.f32 $6.931471820e-01, v26;
	[tilespmem:s29+$0x0] =	vst v8;
	v53 =	vadd.f32 v11, v9;
	v0 =	vadd.f32 v0, v51  }
0x1f5: {  	v55 =	vmul.f32 $6.931471820e-01, v24;
	[tilespmem:s28+$0xFFFFFFE0] =	vst v4;
	v10 =	vadd.f32 v20, v10;
	v1 =	vadd.f32 v1, v52  }
0x1f6: {  	v56 =	vmul.f32 $6.931471820e-01, v23;
	[tilespmem:s28+$0xFFFFFFF0] =	vst v3;
	v57 =	vadd.f32 v50, v54;
	v58 =	vsub.f32 v0, v6  }
0x1f7: {  	v59 =	vmul.f32 $6.931471820e-01, v22;
	[tilespmem:s28+$0x0] =	vst v2;
	v60 =	vadd.f32 v14, v55;
	v61 =	vsub.f32 v1, v53  }
0x1f8: {  	v7 =	vadd.f32 v18, v56;
	v62 =	vsub.f32 v57, v10;
	[tilespmem:s25+$0xFFFFFFE0] =	vst v58  }
0x1f9: {  	v6 =	vadd.f32 v13, v59;
	v0 =	vsub.f32 v0, v60;
	[tilespmem:s25+$0xFFFFFFF0] =	vst v61  }
0x1fa: {  	v1 =	vsub.f32 v1, v7;
	[tilespmem:s25+$0x0] =	vst v62  }
0x1fb: {  	v63 =	vsub.f32 v57, v6;
	[tilespmem:s26+$0xFFFFFFE0] =	vst v0  }
0x1fc: {  	[tilespmem:s26+$0xFFFFFFF0] =	vst v1  }
0x1fd: {  	[tilespmem:s26+$0x0] =	vst v63  }
0x1fe: {  	[hbm4b:s9+s2] =	stream.linear.scatter [tilespmem:s18], [sflag:$0x1], $0x200, $0x38;
	[tilespmem:$0xE80] =	vst v63  }
0x1ff: {  	s20 =	sadd.s32 $0x1, s20  }
0x200: {  	[hbm4b:s10+s2] =	stream.linear.scatter [tilespmem:s19], [sflag:$0x1], $0x200, $0x38;
	[tilespmem:$0xE80] =	vst v63  }
0x201: {  	p0 =	sne.s32 s20, s11;
	_ =	swait.ge [sflag:s17], $0x200  }
.Ltmp1:
0x202: {  	[sflag:s17] =	ssyncset.done $0x0;
	(pc) =	sbr.rel @p0 .LBB2_1-.Ltmp1, $4  }
0x203: {  	[sflag:s17] =	ssyncadd.s32 $0xFFFFFE00  }
0x204: {  	_ =	swait.ge [sflag:s17], $0x200  }
0x205: {  	[sflag:s17] =	ssyncset.done $0x0  }
0x206: {  	[sflag:s17] =	ssyncadd.s32 $0xFFFFFE00  }
0x207: {  	_ =	sfence.sel $0x180000  }
0x208: {  	[bflag:$0x0] =	sbarrier.arrive $0xFFFF  }
0x209: {  	p0 =	sne.s32 s1, $0x0;
	_ =	strace $0x90000047  }
0x20a: {  	s0 =	sadd.s32 @!p0 $0x100000, s0;
	[bflag:$0x2] =	sbarrier.arrive $0xFFFF  }
0x20b: {  	[sflag:s0] =	ssyncadd.tile.s32 @!p0 $0x1;
	_ =	shalt  }
.Lfunc_end2:
_tile_overlayer_lowered:
.L_overlay_start_2:
0x20c: {  	(tag) =	ssettag $0x2  }
0x20d: {  	s0 =	rddreg [dreg:$0x0];
	s2 =	stileid.u32  }
0x20e: {  	s1 =	rddreg [dreg:$0x1];
	p0 =	sne.s32 s2, $0x0  }
0x20f: {  	s3 =	rddreg [dreg:$0x2];
	[bflag:$0x3] =	sbarrier.arrive $0xFFFF;
	s2 =	simm.s32 @!p0 $0x1C02  }
0x210: {  	[timem:s3], [sflag:s2] =	dma.local @!p0 [hbm:s0], s1  }
0x211: {  	s0 =	simm.s32 @!p0 $0x2  }
0x212: {  	_ =	swait.ge @!p0 [sflag:s0], s1  }
0x213: {  	s1 =	ssub.s32 @!p0 $0x0, s1;
	[sflag:s0] =	ssyncset.done @!p0 $0x0  }
0x214: {  	[sflag:s0] =	ssyncadd.s32 @!p0 s1  }
0x215: {  	[bflag:$0x3] =	sbarrier.arrive $0xFFFF  }
0x216: {  	_ =	shalt  }

</sc_bundles>
